<compile_context>
chip_gen: v7x
topology: tpu7x:2x2x1
jax: 0.10.2.dev20260603
libtpu: 0.0.44.dev20260713+nightly
codegen_flags: <defaults>
</compile_context>

<pallas_src>
import functools

import jax
import jax.numpy as jnp
from jax import lax
from jax.experimental import pallas as pl
from jax.experimental.pallas import tpu as pltpu
from jax.experimental.pallas import tpu_sc as plsc

_NUM_FIELDS = 26
_VOCAB = 100000
_EMB_DIM = 32
_BATCH = 16384

_NC = 2
_NS = 16
_NW = _NC * _NS
_LANES = 16
_BLK = 128
_NCH = 2
_CBLK = _BATCH // (_NCH * _BLK)


@functools.partial(
    pl.kernel,
    out_type=jax.ShapeDtypeStruct(
        (_NUM_FIELDS, _EMB_DIM // 8, _BATCH // _BLK, 8, _BLK), jnp.float32
    ),
    mesh=plsc.VectorSubcoreMesh(core_axis_name="c", subcore_axis_name="s"),
    compiler_params=pltpu.CompilerParams(needs_layout_passes=False),
    scratch_types=[
        pltpu.VMEM((_VOCAB,), jnp.float32),
        pltpu.VMEM((_CBLK, _BLK), jnp.int32),
        pltpu.VMEM((_CBLK, _BLK), jnp.float32),
        pltpu.VMEM((_CBLK, _BLK), jnp.float32),
        pltpu.SemaphoreType.DMA,
        pltpu.SemaphoreType.DMA,
        pltpu.SemaphoreType.DMA,
    ],
)
def _mce_gather(
    idx_hbm, tab_hbm, out_hbm, row_v, idx_v, val_a, val_b, row_sem, sem_a, sem_b
):
    w = lax.axis_index("s") * _NC + lax.axis_index("c")
    tr = w // 8
    dr = w % 8

    def out_slice(f, c):
        return out_hbm.at[f, tr, pl.ds(c * _CBLK, _CBLK), dr]

    def field_body(f, carry):
        row_cp = pltpu.async_copy(tab_hbm.at[f, w], row_v, row_sem)
        pltpu.sync_copy(idx_hbm.at[f, 0], idx_v)
        row_cp.wait()

        for c, (val_v, osem) in enumerate(((val_a, sem_a), (val_b, sem_b))):
            if c > 0:
                pltpu.sync_copy(idx_hbm.at[f, c], idx_v)

            @pl.when(f > 0)
            def _():
                pltpu.make_async_copy(val_v, out_slice(f, c), osem).wait()

            @plsc.parallel_loop(0, _CBLK, unroll=4)
            def _(k):
                for j in range(_BLK // _LANES):
                    sl = pl.ds(j * _LANES, _LANES)
                    vals = plsc.load_gather(row_v, [idx_v[k, sl]])
                    val_v[k, sl] = vals

            pltpu.async_copy(val_v, out_slice(f, c), osem)
        return carry

    lax.fori_loop(0, _NUM_FIELDS, field_body, 0)
    pltpu.make_async_copy(val_a, out_slice(_NUM_FIELDS - 1, 0), sem_a).wait()
    pltpu.make_async_copy(val_b, out_slice(_NUM_FIELDS - 1, 1), sem_b).wait()


def kernel(inputs, tables):
    idx = inputs.astype(jnp.int32).T.reshape(_NUM_FIELDS, _NCH, _CBLK, _BLK)
    tt = jnp.swapaxes(tables, 1, 2)
    out5 = _mce_gather(idx, tt)
    out = out5.transpose(0, 2, 4, 1, 3).reshape(_NUM_FIELDS, _BATCH, _EMB_DIM)
    return out.reshape(_NUM_FIELDS, _BATCH, 1, _EMB_DIM)

# --- scband reference (transcript-rebuilt; emitter-appended) ---
"""Pipeline reference for scband-multi-column-embedding-44530220925274 (READ-ONLY COPY).

The authoritative reference and input builder live on the scoring server;
editing this copy changes nothing except your own understanding.
"""

import jax, jax.numpy as jnp
import numpy as np

NUM_FIELDS = 26
VOCAB = 100000
EMB_DIM = 32
BATCH = 16384

def setup_inputs(seed: int = 0) -> dict:
    key = jax.random.key(seed)
    k_idx, k_tab = jax.random.split(key)
    inputs = jax.random.randint(k_idx, (BATCH, NUM_FIELDS), 0, VOCAB, dtype=jnp.int64 if jax.config.jax_enable_x64 else jnp.int32)
    # 26 embedding tables, all (VOCAB, EMB_DIM); stacked for convenience.
    # Keras 'uniform' initializer => U(-0.05, 0.05)
    tables = jax.random.uniform(k_tab, (NUM_FIELDS, VOCAB, EMB_DIM), minval=-0.05, maxval=0.05, dtype=jnp.float32)
    return {"inputs": inputs, "tables": tables}

def reference(inputs, tables):
    # Faithful translation of MultiColumnEmbedding.call (dropout_rate=0.0):
    #   split inputs into one column per field, embedding_lookup per column.
    # Each lookup result has shape [B, 1, EMB_DIM]; the keras layer returns a
    # list of such tensors, here stacked along a leading axis -> [F, B, 1, D].
    cols = jnp.split(inputs, NUM_FIELDS, axis=1)  # each [B, 1]
    outs = []
    for i in range(NUM_FIELDS):
        emb = jnp.take(tables[i], cols[i], axis=0)  # [B, 1, EMB_DIM]
        outs.append(emb)
    return jnp.stack(outs, axis=0)

if __name__ == "__main__":
    import jax
    _d = setup_inputs()
    print(jax.jit(kernel)(*tuple(_d.values())))

</pallas_src>

<mosaic_0001>
#map = affine_map<(d0, d1) -> (0, 0, 0, 0)>
#map1 = affine_map<(d0, d1) -> (0, 0, 0)>
#map2 = affine_map<(d0, d1) -> (0, 0, 0, 0, 0)>
module attributes {stable_mosaic.version = 14 : i64} {
  func.func @_mce_gather(%arg0: i32, %arg1: i32, %arg2: memref<26x2x64x128xi32, #tpu.memory_space<hbm>>, %arg3: memref<26x32x100000xf32, #tpu.memory_space<hbm>>, %arg4: memref<26x4x128x8x128xf32, #tpu.memory_space<hbm>>, %arg5: memref<100000xf32, #tpu.memory_space<vmem>>, %arg6: memref<64x128xi32, #tpu.memory_space<vmem>>, %arg7: memref<64x128xf32, #tpu.memory_space<vmem>>, %arg8: memref<64x128xf32, #tpu.memory_space<vmem>>, %arg9: memref<!tpu.dma_semaphore, #tpu.memory_space<semaphore_mem>>, %arg10: memref<!tpu.dma_semaphore, #tpu.memory_space<semaphore_mem>>, %arg11: memref<!tpu.dma_semaphore, #tpu.memory_space<semaphore_mem>>) attributes {dimension_semantics = [#tpu.dimension_semantics<core_parallel>, #tpu.dimension_semantics<subcore_parallel>], iteration_bounds = array<i64: 2, 16>, scalar_prefetch = 0 : i64, scratch_operands = 7 : i64, tpu.core_type = #tpu.core_type<sc_vector_subcore>, window_params = [{transform_indices = #map}, {transform_indices = #map1}, {transform_indices = #map2}]} {
    %mul3A = arith.constant 2 : i32
    %mul3A_0 = arith.muli %arg1, %mul3A : i32
    %add3A = arith.addi %mul3A_0, %arg0 : i32
    %jit3A = arith.constant 8 : i32
    %div3A = arith.divsi %add3A, %jit3A : i32
    %sign3A = arith.constant 0 : i32
    %sign3A_1 = arith.cmpi sgt, %add3A, %sign3A : i32
    %sign3A_2 = arith.extui %sign3A_1 : i1 to i32
    %sign3A_3 = arith.constant 0 : i32
    %sign3A_4 = arith.cmpi slt, %add3A, %sign3A_3 : i32
    %sign3A_5 = arith.extui %sign3A_4 : i1 to i32
    %sign3A_6 = arith.subi %sign3A_2, %sign3A_5 : i32
    %sign3A_7 = arith.constant 0 : i32
    %sign3A_8 = arith.cmpi sgt, %jit3A, %sign3A_7 : i32
    %sign3A_9 = arith.extui %sign3A_8 : i1 to i32
    %sign3A_10 = arith.constant 0 : i32
    %sign3A_11 = arith.cmpi slt, %jit3A, %sign3A_10 : i32
    %sign3A_12 = arith.extui %sign3A_11 : i1 to i32
    %sign3A_13 = arith.subi %sign3A_9, %sign3A_12 : i32
    %ne3A = arith.cmpi ne, %sign3A_6, %sign3A_13 : i32
    %rem3A = arith.remsi %add3A, %jit3A : i32
    %ne3A_14 = arith.constant 0 : i32
    %ne3A_15 = arith.cmpi ne, %rem3A, %ne3A_14 : i32
    %and3A = arith.andi %ne3A, %ne3A_15 : i1
    %sub3A = arith.constant 1 : i32
    %sub3A_16 = arith.subi %div3A, %sub3A : i32
    %select_n3A = arith.select %and3A, %sub3A_16, %div3A : i32
    %jit3A_17 = arith.constant 8 : i32
    %eq3A = arith.constant 0 : i32
    %eq3A_18 = arith.cmpi eq, %jit3A_17, %eq3A : i32
    %jit3A_19 = arith.constant 1 : i32
    %select_n3A_20 = arith.select %eq3A_18, %jit3A_19, %jit3A_17 : i32
    %rem3A_21 = arith.remsi %add3A, %select_n3A_20 : i32
    %ne3A_22 = arith.constant 0 : i32
    %ne3A_23 = arith.cmpi ne, %rem3A_21, %ne3A_22 : i32
    %lt3A = arith.constant 0 : i32
    %lt3A_24 = arith.cmpi slt, %rem3A_21, %lt3A : i32
    %lt3A_25 = arith.constant 0 : i32
    %lt3A_26 = arith.cmpi slt, %select_n3A_20, %lt3A_25 : i32
    %ne3A_27 = arith.xori %lt3A_24, %lt3A_26 : i1
    %and3A_28 = arith.andi %ne3A_27, %ne3A_23 : i1
    %add3A_29 = arith.addi %rem3A_21, %select_n3A_20 : i32
    %select_n3A_30 = arith.select %and3A_28, %add3A_29, %rem3A_21 : i32
    %scan3A = arith.constant 0 : i32
    %scan3A_31 = arith.constant 0 : i32
    %scan3A_32 = arith.constant 26 : i32
    %scan3A_33 = arith.addi %scan3A_31, %scan3A_32 : i32
    %scan3A_34 = arith.constant 1 : i32
    scf.for %scan3A_53 = %scan3A_31 to %scan3A_33 step %scan3A_34  : i32 {
      %dma_start3A = arith.constant 0 : i32
      %dma_start3A_54 = tpu.memref_slice %arg3[%scan3A_53, %add3A, %dma_start3A] : memref<26x32x100000xf32, #tpu.memory_space<hbm>> -> memref<1x1x100000xf32, #tpu.memory_space<hbm>>
      %dma_start3A_55 = tpu.memref_squeeze %dma_start3A_54 : memref<1x1x100000xf32, #tpu.memory_space<hbm>> -> memref<100000xf32, #tpu.memory_space<hbm>>
      %dma_start3A_56 = arith.constant 0 : i32
      %dma_start3A_57 = tpu.memref_slice %arg3[%scan3A_53, %add3A, %dma_start3A_56] : memref<26x32x100000xf32, #tpu.memory_space<hbm>> -> memref<1x1x100000xf32, #tpu.memory_space<hbm>>
      %dma_start3A_58 = tpu.memref_squeeze %dma_start3A_57 : memref<1x1x100000xf32, #tpu.memory_space<hbm>> -> memref<100000xf32, #tpu.memory_space<hbm>>
      tpu.enqueue_dma source(%dma_start3A_58 : memref<100000xf32, #tpu.memory_space<hbm>>) target(%arg5 : memref<100000xf32, #tpu.memory_space<vmem>>) target_semaphore(%arg9 : memref<!tpu.dma_semaphore, #tpu.memory_space<semaphore_mem>>)
      %run_scoped3A = arith.constant 0 : i32
      "tpu.region"() ({
        %run_scoped3A_94 = tpu.sem_alloc : memref<!tpu.dma_semaphore, #tpu.memory_space<semaphore_mem>>
        %dma_start3A_95 = arith.constant 0 : i32
        %dma_start3A_96 = arith.constant 0 : i32
        %dma_start3A_97 = tpu.memref_slice %arg2[%scan3A_53, %run_scoped3A, %dma_start3A_95, %dma_start3A_96] : memref<26x2x64x128xi32, #tpu.memory_space<hbm>> -> memref<1x1x64x128xi32, #tpu.memory_space<hbm>>
        %dma_start3A_98 = tpu.memref_squeeze %dma_start3A_97 : memref<1x1x64x128xi32, #tpu.memory_space<hbm>> -> memref<64x128xi32, #tpu.memory_space<hbm>>
        %dma_start3A_99 = arith.constant 0 : i32
        %dma_start3A_100 = arith.constant 0 : i32
        %dma_start3A_101 = tpu.memref_slice %arg2[%scan3A_53, %run_scoped3A, %dma_start3A_99, %dma_start3A_100] : memref<26x2x64x128xi32, #tpu.memory_space<hbm>> -> memref<1x1x64x128xi32, #tpu.memory_space<hbm>>
        %dma_start3A_102 = tpu.memref_squeeze %dma_start3A_101 : memref<1x1x64x128xi32, #tpu.memory_space<hbm>> -> memref<64x128xi32, #tpu.memory_space<hbm>>
        tpu.enqueue_dma source(%dma_start3A_102 : memref<64x128xi32, #tpu.memory_space<hbm>>) target(%arg6 : memref<64x128xi32, #tpu.memory_space<vmem>>) target_semaphore(%run_scoped3A_94 : memref<!tpu.dma_semaphore, #tpu.memory_space<semaphore_mem>>)
        %dma_wait3A_103 = arith.constant 0 : i32
        %dma_wait3A_104 = arith.constant 0 : i32
        %dma_wait3A_105 = tpu.memref_slice %arg2[%scan3A_53, %run_scoped3A, %dma_wait3A_103, %dma_wait3A_104] : memref<26x2x64x128xi32, #tpu.memory_space<hbm>> -> memref<1x1x64x128xi32, #tpu.memory_space<hbm>>
        %dma_wait3A_106 = tpu.memref_squeeze %dma_wait3A_105 : memref<1x1x64x128xi32, #tpu.memory_space<hbm>> -> memref<64x128xi32, #tpu.memory_space<hbm>>
        %dma_wait3A_107 = arith.constant 0 : i32
        %dma_wait3A_108 = arith.constant 0 : i32
        %dma_wait3A_109 = tpu.memref_slice %arg2[%scan3A_53, %run_scoped3A, %dma_wait3A_107, %dma_wait3A_108] : memref<26x2x64x128xi32, #tpu.memory_space<hbm>> -> memref<1x1x64x128xi32, #tpu.memory_space<hbm>>
        %dma_wait3A_110 = tpu.memref_squeeze %dma_wait3A_109 : memref<1x1x64x128xi32, #tpu.memory_space<hbm>> -> memref<64x128xi32, #tpu.memory_space<hbm>>
        tpu.wait_dma2 semaphore(%run_scoped3A_94 : memref<!tpu.dma_semaphore, #tpu.memory_space<semaphore_mem>>) src(%dma_wait3A_110 : memref<64x128xi32, #tpu.memory_space<hbm>>) dst(%arg6 : memref<64x128xi32, #tpu.memory_space<vmem>>)
        tpu.yield
      }) : () -> ()
      %dma_wait3A_59 = arith.constant 0 : i32
      %dma_wait3A_60 = tpu.memref_slice %arg3[%scan3A_53, %add3A, %dma_wait3A_59] : memref<26x32x100000xf32, #tpu.memory_space<hbm>> -> memref<1x1x100000xf32, #tpu.memory_space<hbm>>
      %dma_wait3A_61 = tpu.memref_squeeze %dma_wait3A_60 : memref<1x1x100000xf32, #tpu.memory_space<hbm>> -> memref<100000xf32, #tpu.memory_space<hbm>>
      %dma_wait3A_62 = arith.constant 0 : i32
      %dma_wait3A_63 = tpu.memref_slice %arg3[%scan3A_53, %add3A, %dma_wait3A_62] : memref<26x32x100000xf32, #tpu.memory_space<hbm>> -> memref<1x1x100000xf32, #tpu.memory_space<hbm>>
      %dma_wait3A_64 = tpu.memref_squeeze %dma_wait3A_63 : memref<1x1x100000xf32, #tpu.memory_space<hbm>> -> memref<100000xf32, #tpu.memory_space<hbm>>
      tpu.wait_dma2 semaphore(%arg9 : memref<!tpu.dma_semaphore, #tpu.memory_space<semaphore_mem>>) src(%dma_wait3A_64 : memref<100000xf32, #tpu.memory_space<hbm>>) dst(%arg5 : memref<100000xf32, #tpu.memory_space<vmem>>)
      %gt3A = arith.constant 0 : i32
      %gt3A_65 = arith.cmpi sgt, %scan3A_53, %gt3A : i32
      %convert_element_type3A = arith.extui %gt3A_65 : i1 to i32
      %cond3A = arith.constant 0 : i32
      %cond3A_66 = arith.cmpi ne, %convert_element_type3A, %cond3A : i32
      scf.if %cond3A_66 {
        %dma_wait3A_94 = arith.constant 0 : i32
        %dma_wait3A_95 = arith.constant 0 : i32
        %dma_wait3A_96 = tpu.memref_slice %arg4[%scan3A_53, %select_n3A, %dma_wait3A_94, %select_n3A_30, %dma_wait3A_95] : memref<26x4x128x8x128xf32, #tpu.memory_space<hbm>> -> memref<1x1x64x1x128xf32, #tpu.memory_space<hbm>>
        %dma_wait3A_97 = tpu.memref_squeeze %dma_wait3A_96 : memref<1x1x64x1x128xf32, #tpu.memory_space<hbm>> -> memref<64x128xf32, #tpu.memory_space<hbm>>
        %dma_wait3A_98 = arith.constant 0 : i32
        %dma_wait3A_99 = arith.constant 0 : i32
        %dma_wait3A_100 = tpu.memref_slice %arg4[%scan3A_53, %select_n3A, %dma_wait3A_98, %select_n3A_30, %dma_wait3A_99] : memref<26x4x128x8x128xf32, #tpu.memory_space<hbm>> -> memref<1x1x64x1x128xf32, #tpu.memory_space<hbm>>
        %dma_wait3A_101 = tpu.memref_squeeze %dma_wait3A_100 : memref<1x1x64x1x128xf32, #tpu.memory_space<hbm>> -> memref<64x128xf32, #tpu.memory_space<hbm>>
        tpu.wait_dma2 semaphore(%arg10 : memref<!tpu.dma_semaphore, #tpu.memory_space<semaphore_mem>>) src(%arg7 : memref<64x128xf32, #tpu.memory_space<vmem>>) dst(%dma_wait3A_101 : memref<64x128xf32, #tpu.memory_space<hbm>>)
      } else {
      }
      %parallel_loop3A = arith.constant 0 : i32
      %parallel_loop3A_67 = arith.constant 64 : i32
      %parallel_loop3A_68 = arith.constant 1 : i32
      scf.for %parallel_loop3A_94 = %parallel_loop3A to %parallel_loop3A_67 step %parallel_loop3A_68  : i32 {
        %parallel_loop3A_95 = arith.index_cast %parallel_loop3A_94 : i32 to index
        %parallel_loop3A_96 = arith.constant 0 : index
        %parallel_loop3A_97 = tpu.vector_load %arg6[%parallel_loop3A_95, %parallel_loop3A_96] {strides = array<i32>} : memref<64x128xi32, #tpu.memory_space<vmem>>, vector<16xi32>,
        %parallel_loop3A_98 = tpu.vector_load_idx %arg5[%parallel_loop3A_97] : memref<100000xf32, #tpu.memory_space<vmem>>[vector<16xi32>], vector<16xf32>,
        %parallel_loop3A_99 = arith.index_cast %parallel_loop3A_94 : i32 to index
        %parallel_loop3A_100 = arith.constant 0 : index
        %parallel_loop3A_101 = tpu.vector_load %arg7[%parallel_loop3A_99, %parallel_loop3A_100] {strides = array<i32>} : memref<64x128xf32, #tpu.memory_space<vmem>>, vector<16xf32>,
        tpu.vector_store %arg7[%parallel_loop3A_99, %parallel_loop3A_100], %parallel_loop3A_98 {strides = array<i32>} : memref<64x128xf32, #tpu.memory_space<vmem>>, vector<16xf32>,
        %parallel_loop3A_102 = arith.index_cast %parallel_loop3A_94 : i32 to index
        %parallel_loop3A_103 = arith.constant 16 : index
        %parallel_loop3A_104 = tpu.vector_load %arg6[%parallel_loop3A_102, %parallel_loop3A_103] {strides = array<i32>} : memref<64x128xi32, #tpu.memory_space<vmem>>, vector<16xi32>,
        %parallel_loop3A_105 = tpu.vector_load_idx %arg5[%parallel_loop3A_104] : memref<100000xf32, #tpu.memory_space<vmem>>[vector<16xi32>], vector<16xf32>,
        %parallel_loop3A_106 = arith.index_cast %parallel_loop3A_94 : i32 to index
        %parallel_loop3A_107 = arith.constant 16 : index
        %parallel_loop3A_108 = tpu.vector_load %arg7[%parallel_loop3A_106, %parallel_loop3A_107] {strides = array<i32>} : memref<64x128xf32, #tpu.memory_space<vmem>>, vector<16xf32>,
        tpu.vector_store %arg7[%parallel_loop3A_106, %parallel_loop3A_107], %parallel_loop3A_105 {strides = array<i32>} : memref<64x128xf32, #tpu.memory_space<vmem>>, vector<16xf32>,
        %parallel_loop3A_109 = arith.index_cast %parallel_loop3A_94 : i32 to index
        %parallel_loop3A_110 = arith.constant 32 : index
        %parallel_loop3A_111 = tpu.vector_load %arg6[%parallel_loop3A_109, %parallel_loop3A_110] {strides = array<i32>} : memref<64x128xi32, #tpu.memory_space<vmem>>, vector<16xi32>,
        %parallel_loop3A_112 = tpu.vector_load_idx %arg5[%parallel_loop3A_111] : memref<100000xf32, #tpu.memory_space<vmem>>[vector<16xi32>], vector<16xf32>,
        %parallel_loop3A_113 = arith.index_cast %parallel_loop3A_94 : i32 to index
        %parallel_loop3A_114 = arith.constant 32 : index
        %parallel_loop3A_115 = tpu.vector_load %arg7[%parallel_loop3A_113, %parallel_loop3A_114] {strides = array<i32>} : memref<64x128xf32, #tpu.memory_space<vmem>>, vector<16xf32>,
        tpu.vector_store %arg7[%parallel_loop3A_113, %parallel_loop3A_114], %parallel_loop3A_112 {strides = array<i32>} : memref<64x128xf32, #tpu.memory_space<vmem>>, vector<16xf32>,
        %parallel_loop3A_116 = arith.index_cast %parallel_loop3A_94 : i32 to index
        %parallel_loop3A_117 = arith.constant 48 : index
        %parallel_loop3A_118 = tpu.vector_load %arg6[%parallel_loop3A_116, %parallel_loop3A_117] {strides = array<i32>} : memref<64x128xi32, #tpu.memory_space<vmem>>, vector<16xi32>,
        %parallel_loop3A_119 = tpu.vector_load_idx %arg5[%parallel_loop3A_118] : memref<100000xf32, #tpu.memory_space<vmem>>[vector<16xi32>], vector<16xf32>,
        %parallel_loop3A_120 = arith.index_cast %parallel_loop3A_94 : i32 to index
        %parallel_loop3A_121 = arith.constant 48 : index
        %parallel_loop3A_122 = tpu.vector_load %arg7[%parallel_loop3A_120, %parallel_loop3A_121] {strides = array<i32>} : memref<64x128xf32, #tpu.memory_space<vmem>>, vector<16xf32>,
        tpu.vector_store %arg7[%parallel_loop3A_120, %parallel_loop3A_121], %parallel_loop3A_119 {strides = array<i32>} : memref<64x128xf32, #tpu.memory_space<vmem>>, vector<16xf32>,
        %parallel_loop3A_123 = arith.index_cast %parallel_loop3A_94 : i32 to index
        %parallel_loop3A_124 = arith.constant 64 : index
        %parallel_loop3A_125 = tpu.vector_load %arg6[%parallel_loop3A_123, %parallel_loop3A_124] {strides = array<i32>} : memref<64x128xi32, #tpu.memory_space<vmem>>, vector<16xi32>,
        %parallel_loop3A_126 = tpu.vector_load_idx %arg5[%parallel_loop3A_125] : memref<100000xf32, #tpu.memory_space<vmem>>[vector<16xi32>], vector<16xf32>,
        %parallel_loop3A_127 = arith.index_cast %parallel_loop3A_94 : i32 to index
        %parallel_loop3A_128 = arith.constant 64 : index
        %parallel_loop3A_129 = tpu.vector_load %arg7[%parallel_loop3A_127, %parallel_loop3A_128] {strides = array<i32>} : memref<64x128xf32, #tpu.memory_space<vmem>>, vector<16xf32>,
        tpu.vector_store %arg7[%parallel_loop3A_127, %parallel_loop3A_128], %parallel_loop3A_126 {strides = array<i32>} : memref<64x128xf32, #tpu.memory_space<vmem>>, vector<16xf32>,
        %parallel_loop3A_130 = arith.index_cast %parallel_loop3A_94 : i32 to index
        %parallel_loop3A_131 = arith.constant 80 : index
        %parallel_loop3A_132 = tpu.vector_load %arg6[%parallel_loop3A_130, %parallel_loop3A_131] {strides = array<i32>} : memref<64x128xi32, #tpu.memory_space<vmem>>, vector<16xi32>,
        %parallel_loop3A_133 = tpu.vector_load_idx %arg5[%parallel_loop3A_132] : memref<100000xf32, #tpu.memory_space<vmem>>[vector<16xi32>], vector<16xf32>,
        %parallel_loop3A_134 = arith.index_cast %parallel_loop3A_94 : i32 to index
        %parallel_loop3A_135 = arith.constant 80 : index
        %parallel_loop3A_136 = tpu.vector_load %arg7[%parallel_loop3A_134, %parallel_loop3A_135] {strides = array<i32>} : memref<64x128xf32, #tpu.memory_space<vmem>>, vector<16xf32>,
        tpu.vector_store %arg7[%parallel_loop3A_134, %parallel_loop3A_135], %parallel_loop3A_133 {strides = array<i32>} : memref<64x128xf32, #tpu.memory_space<vmem>>, vector<16xf32>,
        %parallel_loop3A_137 = arith.index_cast %parallel_loop3A_94 : i32 to index
        %parallel_loop3A_138 = arith.constant 96 : index
        %parallel_loop3A_139 = tpu.vector_load %arg6[%parallel_loop3A_137, %parallel_loop3A_138] {strides = array<i32>} : memref<64x128xi32, #tpu.memory_space<vmem>>, vector<16xi32>,
        %parallel_loop3A_140 = tpu.vector_load_idx %arg5[%parallel_loop3A_139] : memref<100000xf32, #tpu.memory_space<vmem>>[vector<16xi32>], vector<16xf32>,
        %parallel_loop3A_141 = arith.index_cast %parallel_loop3A_94 : i32 to index
        %parallel_loop3A_142 = arith.constant 96 : index
        %parallel_loop3A_143 = tpu.vector_load %arg7[%parallel_loop3A_141, %parallel_loop3A_142] {strides = array<i32>} : memref<64x128xf32, #tpu.memory_space<vmem>>, vector<16xf32>,
        tpu.vector_store %arg7[%parallel_loop3A_141, %parallel_loop3A_142], %parallel_loop3A_140 {strides = array<i32>} : memref<64x128xf32, #tpu.memory_space<vmem>>, vector<16xf32>,
        %parallel_loop3A_144 = arith.index_cast %parallel_loop3A_94 : i32 to index
        %parallel_loop3A_145 = arith.constant 112 : index
        %parallel_loop3A_146 = tpu.vector_load %arg6[%parallel_loop3A_144, %parallel_loop3A_145] {strides = array<i32>} : memref<64x128xi32, #tpu.memory_space<vmem>>, vector<16xi32>,
        %parallel_loop3A_147 = tpu.vector_load_idx %arg5[%parallel_loop3A_146] : memref<100000xf32, #tpu.memory_space<vmem>>[vector<16xi32>], vector<16xf32>,
        %parallel_loop3A_148 = arith.index_cast %parallel_loop3A_94 : i32 to index
        %parallel_loop3A_149 = arith.constant 112 : index
        %parallel_loop3A_150 = tpu.vector_load %arg7[%parallel_loop3A_148, %parallel_loop3A_149] {strides = array<i32>} : memref<64x128xf32, #tpu.memory_space<vmem>>, vector<16xf32>,
        tpu.vector_store %arg7[%parallel_loop3A_148, %parallel_loop3A_149], %parallel_loop3A_147 {strides = array<i32>} : memref<64x128xf32, #tpu.memory_space<vmem>>, vector<16xf32>,
      } {sc.loop_unroll_factor = 4 : i64, sc.parallel_access}
      %dma_start3A_69 = arith.constant 0 : i32
      %dma_start3A_70 = arith.constant 0 : i32
      %dma_start3A_71 = tpu.memref_slice %arg4[%scan3A_53, %select_n3A, %dma_start3A_69, %select_n3A_30, %dma_start3A_70] : memref<26x4x128x8x128xf32, #tpu.memory_space<hbm>> -> memref<1x1x64x1x128xf32, #tpu.memory_space<hbm>>
      %dma_start3A_72 = tpu.memref_squeeze %dma_start3A_71 : memref<1x1x64x1x128xf32, #tpu.memory_space<hbm>> -> memref<64x128xf32, #tpu.memory_space<hbm>>
      %dma_start3A_73 = arith.constant 0 : i32
      %dma_start3A_74 = arith.constant 0 : i32
      %dma_start3A_75 = tpu.memref_slice %arg4[%scan3A_53, %select_n3A, %dma_start3A_73, %select_n3A_30, %dma_start3A_74] : memref<26x4x128x8x128xf32, #tpu.memory_space<hbm>> -> memref<1x1x64x1x128xf32, #tpu.memory_space<hbm>>
      %dma_start3A_76 = tpu.memref_squeeze %dma_start3A_75 : memref<1x1x64x1x128xf32, #tpu.memory_space<hbm>> -> memref<64x128xf32, #tpu.memory_space<hbm>>
      tpu.enqueue_dma source(%arg7 : memref<64x128xf32, #tpu.memory_space<vmem>>) target(%dma_start3A_76 : memref<64x128xf32, #tpu.memory_space<hbm>>) target_semaphore(%arg10 : memref<!tpu.dma_semaphore, #tpu.memory_space<semaphore_mem>>)
      %run_scoped3A_77 = arith.constant 1 : i32
      "tpu.region"() ({
        %run_scoped3A_94 = tpu.sem_alloc : memref<!tpu.dma_semaphore, #tpu.memory_space<semaphore_mem>>
        %dma_start3A_95 = arith.constant 0 : i32
        %dma_start3A_96 = arith.constant 0 : i32
        %dma_start3A_97 = tpu.memref_slice %arg2[%scan3A_53, %run_scoped3A_77, %dma_start3A_95, %dma_start3A_96] : memref<26x2x64x128xi32, #tpu.memory_space<hbm>> -> memref<1x1x64x128xi32, #tpu.memory_space<hbm>>
        %dma_start3A_98 = tpu.memref_squeeze %dma_start3A_97 : memref<1x1x64x128xi32, #tpu.memory_space<hbm>> -> memref<64x128xi32, #tpu.memory_space<hbm>>
        %dma_start3A_99 = arith.constant 0 : i32
        %dma_start3A_100 = arith.constant 0 : i32
        %dma_start3A_101 = tpu.memref_slice %arg2[%scan3A_53, %run_scoped3A_77, %dma_start3A_99, %dma_start3A_100] : memref<26x2x64x128xi32, #tpu.memory_space<hbm>> -> memref<1x1x64x128xi32, #tpu.memory_space<hbm>>
        %dma_start3A_102 = tpu.memref_squeeze %dma_start3A_101 : memref<1x1x64x128xi32, #tpu.memory_space<hbm>> -> memref<64x128xi32, #tpu.memory_space<hbm>>
        tpu.enqueue_dma source(%dma_start3A_102 : memref<64x128xi32, #tpu.memory_space<hbm>>) target(%arg6 : memref<64x128xi32, #tpu.memory_space<vmem>>) target_semaphore(%run_scoped3A_94 : memref<!tpu.dma_semaphore, #tpu.memory_space<semaphore_mem>>)
        %dma_wait3A_103 = arith.constant 0 : i32
        %dma_wait3A_104 = arith.constant 0 : i32
        %dma_wait3A_105 = tpu.memref_slice %arg2[%scan3A_53, %run_scoped3A_77, %dma_wait3A_103, %dma_wait3A_104] : memref<26x2x64x128xi32, #tpu.memory_space<hbm>> -> memref<1x1x64x128xi32, #tpu.memory_space<hbm>>
        %dma_wait3A_106 = tpu.memref_squeeze %dma_wait3A_105 : memref<1x1x64x128xi32, #tpu.memory_space<hbm>> -> memref<64x128xi32, #tpu.memory_space<hbm>>
        %dma_wait3A_107 = arith.constant 0 : i32
        %dma_wait3A_108 = arith.constant 0 : i32
        %dma_wait3A_109 = tpu.memref_slice %arg2[%scan3A_53, %run_scoped3A_77, %dma_wait3A_107, %dma_wait3A_108] : memref<26x2x64x128xi32, #tpu.memory_space<hbm>> -> memref<1x1x64x128xi32, #tpu.memory_space<hbm>>
        %dma_wait3A_110 = tpu.memref_squeeze %dma_wait3A_109 : memref<1x1x64x128xi32, #tpu.memory_space<hbm>> -> memref<64x128xi32, #tpu.memory_space<hbm>>
        tpu.wait_dma2 semaphore(%run_scoped3A_94 : memref<!tpu.dma_semaphore, #tpu.memory_space<semaphore_mem>>) src(%dma_wait3A_110 : memref<64x128xi32, #tpu.memory_space<hbm>>) dst(%arg6 : memref<64x128xi32, #tpu.memory_space<vmem>>)
        tpu.yield
      }) : () -> ()
      %gt3A_78 = arith.constant 0 : i32
      %gt3A_79 = arith.cmpi sgt, %scan3A_53, %gt3A_78 : i32
      %convert_element_type3A_80 = arith.extui %gt3A_79 : i1 to i32
      %cond3A_81 = arith.constant 0 : i32
      %cond3A_82 = arith.cmpi ne, %convert_element_type3A_80, %cond3A_81 : i32
      scf.if %cond3A_82 {
        %dma_wait3A_94 = arith.constant 64 : i32
        %dma_wait3A_95 = arith.constant 0 : i32
        %dma_wait3A_96 = tpu.memref_slice %arg4[%scan3A_53, %select_n3A, %dma_wait3A_94, %select_n3A_30, %dma_wait3A_95] : memref<26x4x128x8x128xf32, #tpu.memory_space<hbm>> -> memref<1x1x64x1x128xf32, #tpu.memory_space<hbm>>
        %dma_wait3A_97 = tpu.memref_squeeze %dma_wait3A_96 : memref<1x1x64x1x128xf32, #tpu.memory_space<hbm>> -> memref<64x128xf32, #tpu.memory_space<hbm>>
        %dma_wait3A_98 = arith.constant 64 : i32
        %dma_wait3A_99 = arith.constant 0 : i32
        %dma_wait3A_100 = tpu.memref_slice %arg4[%scan3A_53, %select_n3A, %dma_wait3A_98, %select_n3A_30, %dma_wait3A_99] : memref<26x4x128x8x128xf32, #tpu.memory_space<hbm>> -> memref<1x1x64x1x128xf32, #tpu.memory_space<hbm>>
        %dma_wait3A_101 = tpu.memref_squeeze %dma_wait3A_100 : memref<1x1x64x1x128xf32, #tpu.memory_space<hbm>> -> memref<64x128xf32, #tpu.memory_space<hbm>>
        tpu.wait_dma2 semaphore(%arg11 : memref<!tpu.dma_semaphore, #tpu.memory_space<semaphore_mem>>) src(%arg8 : memref<64x128xf32, #tpu.memory_space<vmem>>) dst(%dma_wait3A_101 : memref<64x128xf32, #tpu.memory_space<hbm>>)
      } else {
      }
      %parallel_loop3A_83 = arith.constant 0 : i32
      %parallel_loop3A_84 = arith.constant 64 : i32
      %parallel_loop3A_85 = arith.constant 1 : i32
      scf.for %parallel_loop3A_94 = %parallel_loop3A_83 to %parallel_loop3A_84 step %parallel_loop3A_85  : i32 {
        %parallel_loop3A_95 = arith.index_cast %parallel_loop3A_94 : i32 to index
        %parallel_loop3A_96 = arith.constant 0 : index
        %parallel_loop3A_97 = tpu.vector_load %arg6[%parallel_loop3A_95, %parallel_loop3A_96] {strides = array<i32>} : memref<64x128xi32, #tpu.memory_space<vmem>>, vector<16xi32>,
        %parallel_loop3A_98 = tpu.vector_load_idx %arg5[%parallel_loop3A_97] : memref<100000xf32, #tpu.memory_space<vmem>>[vector<16xi32>], vector<16xf32>,
        %parallel_loop3A_99 = arith.index_cast %parallel_loop3A_94 : i32 to index
        %parallel_loop3A_100 = arith.constant 0 : index
        %parallel_loop3A_101 = tpu.vector_load %arg8[%parallel_loop3A_99, %parallel_loop3A_100] {strides = array<i32>} : memref<64x128xf32, #tpu.memory_space<vmem>>, vector<16xf32>,
        tpu.vector_store %arg8[%parallel_loop3A_99, %parallel_loop3A_100], %parallel_loop3A_98 {strides = array<i32>} : memref<64x128xf32, #tpu.memory_space<vmem>>, vector<16xf32>,
        %parallel_loop3A_102 = arith.index_cast %parallel_loop3A_94 : i32 to index
        %parallel_loop3A_103 = arith.constant 16 : index
        %parallel_loop3A_104 = tpu.vector_load %arg6[%parallel_loop3A_102, %parallel_loop3A_103] {strides = array<i32>} : memref<64x128xi32, #tpu.memory_space<vmem>>, vector<16xi32>,
        %parallel_loop3A_105 = tpu.vector_load_idx %arg5[%parallel_loop3A_104] : memref<100000xf32, #tpu.memory_space<vmem>>[vector<16xi32>], vector<16xf32>,
        %parallel_loop3A_106 = arith.index_cast %parallel_loop3A_94 : i32 to index
        %parallel_loop3A_107 = arith.constant 16 : index
        %parallel_loop3A_108 = tpu.vector_load %arg8[%parallel_loop3A_106, %parallel_loop3A_107] {strides = array<i32>} : memref<64x128xf32, #tpu.memory_space<vmem>>, vector<16xf32>,
        tpu.vector_store %arg8[%parallel_loop3A_106, %parallel_loop3A_107], %parallel_loop3A_105 {strides = array<i32>} : memref<64x128xf32, #tpu.memory_space<vmem>>, vector<16xf32>,
        %parallel_loop3A_109 = arith.index_cast %parallel_loop3A_94 : i32 to index
        %parallel_loop3A_110 = arith.constant 32 : index
        %parallel_loop3A_111 = tpu.vector_load %arg6[%parallel_loop3A_109, %parallel_loop3A_110] {strides = array<i32>} : memref<64x128xi32, #tpu.memory_space<vmem>>, vector<16xi32>,
        %parallel_loop3A_112 = tpu.vector_load_idx %arg5[%parallel_loop3A_111] : memref<100000xf32, #tpu.memory_space<vmem>>[vector<16xi32>], vector<16xf32>,
        %parallel_loop3A_113 = arith.index_cast %parallel_loop3A_94 : i32 to index
        %parallel_loop3A_114 = arith.constant 32 : index
        %parallel_loop3A_115 = tpu.vector_load %arg8[%parallel_loop3A_113, %parallel_loop3A_114] {strides = array<i32>} : memref<64x128xf32, #tpu.memory_space<vmem>>, vector<16xf32>,
        tpu.vector_store %arg8[%parallel_loop3A_113, %parallel_loop3A_114], %parallel_loop3A_112 {strides = array<i32>} : memref<64x128xf32, #tpu.memory_space<vmem>>, vector<16xf32>,
        %parallel_loop3A_116 = arith.index_cast %parallel_loop3A_94 : i32 to index
        %parallel_loop3A_117 = arith.constant 48 : index
        %parallel_loop3A_118 = tpu.vector_load %arg6[%parallel_loop3A_116, %parallel_loop3A_117] {strides = array<i32>} : memref<64x128xi32, #tpu.memory_space<vmem>>, vector<16xi32>,
        %parallel_loop3A_119 = tpu.vector_load_idx %arg5[%parallel_loop3A_118] : memref<100000xf32, #tpu.memory_space<vmem>>[vector<16xi32>], vector<16xf32>,
        %parallel_loop3A_120 = arith.index_cast %parallel_loop3A_94 : i32 to index
        %parallel_loop3A_121 = arith.constant 48 : index
        %parallel_loop3A_122 = tpu.vector_load %arg8[%parallel_loop3A_120, %parallel_loop3A_121] {strides = array<i32>} : memref<64x128xf32, #tpu.memory_space<vmem>>, vector<16xf32>,
        tpu.vector_store %arg8[%parallel_loop3A_120, %parallel_loop3A_121], %parallel_loop3A_119 {strides = array<i32>} : memref<64x128xf32, #tpu.memory_space<vmem>>, vector<16xf32>,
        %parallel_loop3A_123 = arith.index_cast %parallel_loop3A_94 : i32 to index
        %parallel_loop3A_124 = arith.constant 64 : index
        %parallel_loop3A_125 = tpu.vector_load %arg6[%parallel_loop3A_123, %parallel_loop3A_124] {strides = array<i32>} : memref<64x128xi32, #tpu.memory_space<vmem>>, vector<16xi32>,
        %parallel_loop3A_126 = tpu.vector_load_idx %arg5[%parallel_loop3A_125] : memref<100000xf32, #tpu.memory_space<vmem>>[vector<16xi32>], vector<16xf32>,
        %parallel_loop3A_127 = arith.index_cast %parallel_loop3A_94 : i32 to index
        %parallel_loop3A_128 = arith.constant 64 : index
        %parallel_loop3A_129 = tpu.vector_load %arg8[%parallel_loop3A_127, %parallel_loop3A_128] {strides = array<i32>} : memref<64x128xf32, #tpu.memory_space<vmem>>, vector<16xf32>,
        tpu.vector_store %arg8[%parallel_loop3A_127, %parallel_loop3A_128], %parallel_loop3A_126 {strides = array<i32>} : memref<64x128xf32, #tpu.memory_space<vmem>>, vector<16xf32>,
        %parallel_loop3A_130 = arith.index_cast %parallel_loop3A_94 : i32 to index
        %parallel_loop3A_131 = arith.constant 80 : index
        %parallel_loop3A_132 = tpu.vector_load %arg6[%parallel_loop3A_130, %parallel_loop3A_131] {strides = array<i32>} : memref<64x128xi32, #tpu.memory_space<vmem>>, vector<16xi32>,
        %parallel_loop3A_133 = tpu.vector_load_idx %arg5[%parallel_loop3A_132] : memref<100000xf32, #tpu.memory_space<vmem>>[vector<16xi32>], vector<16xf32>,
        %parallel_loop3A_134 = arith.index_cast %parallel_loop3A_94 : i32 to index
        %parallel_loop3A_135 = arith.constant 80 : index
        %parallel_loop3A_136 = tpu.vector_load %arg8[%parallel_loop3A_134, %parallel_loop3A_135] {strides = array<i32>} : memref<64x128xf32, #tpu.memory_space<vmem>>, vector<16xf32>,
        tpu.vector_store %arg8[%parallel_loop3A_134, %parallel_loop3A_135], %parallel_loop3A_133 {strides = array<i32>} : memref<64x128xf32, #tpu.memory_space<vmem>>, vector<16xf32>,
        %parallel_loop3A_137 = arith.index_cast %parallel_loop3A_94 : i32 to index
        %parallel_loop3A_138 = arith.constant 96 : index
        %parallel_loop3A_139 = tpu.vector_load %arg6[%parallel_loop3A_137, %parallel_loop3A_138] {strides = array<i32>} : memref<64x128xi32, #tpu.memory_space<vmem>>, vector<16xi32>,
        %parallel_loop3A_140 = tpu.vector_load_idx %arg5[%parallel_loop3A_139] : memref<100000xf32, #tpu.memory_space<vmem>>[vector<16xi32>], vector<16xf32>,
        %parallel_loop3A_141 = arith.index_cast %parallel_loop3A_94 : i32 to index
        %parallel_loop3A_142 = arith.constant 96 : index
        %parallel_loop3A_143 = tpu.vector_load %arg8[%parallel_loop3A_141, %parallel_loop3A_142] {strides = array<i32>} : memref<64x128xf32, #tpu.memory_space<vmem>>, vector<16xf32>,
        tpu.vector_store %arg8[%parallel_loop3A_141, %parallel_loop3A_142], %parallel_loop3A_140 {strides = array<i32>} : memref<64x128xf32, #tpu.memory_space<vmem>>, vector<16xf32>,
        %parallel_loop3A_144 = arith.index_cast %parallel_loop3A_94 : i32 to index
        %parallel_loop3A_145 = arith.constant 112 : index
        %parallel_loop3A_146 = tpu.vector_load %arg6[%parallel_loop3A_144, %parallel_loop3A_145] {strides = array<i32>} : memref<64x128xi32, #tpu.memory_space<vmem>>, vector<16xi32>,
        %parallel_loop3A_147 = tpu.vector_load_idx %arg5[%parallel_loop3A_146] : memref<100000xf32, #tpu.memory_space<vmem>>[vector<16xi32>], vector<16xf32>,
        %parallel_loop3A_148 = arith.index_cast %parallel_loop3A_94 : i32 to index
        %parallel_loop3A_149 = arith.constant 112 : index
        %parallel_loop3A_150 = tpu.vector_load %arg8[%parallel_loop3A_148, %parallel_loop3A_149] {strides = array<i32>} : memref<64x128xf32, #tpu.memory_space<vmem>>, vector<16xf32>,
        tpu.vector_store %arg8[%parallel_loop3A_148, %parallel_loop3A_149], %parallel_loop3A_147 {strides = array<i32>} : memref<64x128xf32, #tpu.memory_space<vmem>>, vector<16xf32>,
      } {sc.loop_unroll_factor = 4 : i64, sc.parallel_access}
      %dma_start3A_86 = arith.constant 64 : i32
      %dma_start3A_87 = arith.constant 0 : i32
      %dma_start3A_88 = tpu.memref_slice %arg4[%scan3A_53, %select_n3A, %dma_start3A_86, %select_n3A_30, %dma_start3A_87] : memref<26x4x128x8x128xf32, #tpu.memory_space<hbm>> -> memref<1x1x64x1x128xf32, #tpu.memory_space<hbm>>
      %dma_start3A_89 = tpu.memref_squeeze %dma_start3A_88 : memref<1x1x64x1x128xf32, #tpu.memory_space<hbm>> -> memref<64x128xf32, #tpu.memory_space<hbm>>
      %dma_start3A_90 = arith.constant 64 : i32
      %dma_start3A_91 = arith.constant 0 : i32
      %dma_start3A_92 = tpu.memref_slice %arg4[%scan3A_53, %select_n3A, %dma_start3A_90, %select_n3A_30, %dma_start3A_91] : memref<26x4x128x8x128xf32, #tpu.memory_space<hbm>> -> memref<1x1x64x1x128xf32, #tpu.memory_space<hbm>>
      %dma_start3A_93 = tpu.memref_squeeze %dma_start3A_92 : memref<1x1x64x1x128xf32, #tpu.memory_space<hbm>> -> memref<64x128xf32, #tpu.memory_space<hbm>>
      tpu.enqueue_dma source(%arg8 : memref<64x128xf32, #tpu.memory_space<vmem>>) target(%dma_start3A_93 : memref<64x128xf32, #tpu.memory_space<hbm>>) target_semaphore(%arg11 : memref<!tpu.dma_semaphore, #tpu.memory_space<semaphore_mem>>)
    }
    %scan3A_35 = arith.constant 26 : i32
    %dma_wait3A = arith.constant 25 : i32
    %dma_wait3A_36 = arith.constant 0 : i32
    %dma_wait3A_37 = arith.constant 0 : i32
    %dma_wait3A_38 = tpu.memref_slice %arg4[%dma_wait3A, %select_n3A, %dma_wait3A_36, %select_n3A_30, %dma_wait3A_37] : memref<26x4x128x8x128xf32, #tpu.memory_space<hbm>> -> memref<1x1x64x1x128xf32, #tpu.memory_space<hbm>>
    %dma_wait3A_39 = tpu.memref_squeeze %dma_wait3A_38 : memref<1x1x64x1x128xf32, #tpu.memory_space<hbm>> -> memref<64x128xf32, #tpu.memory_space<hbm>>
    %dma_wait3A_40 = arith.constant 0 : i32
    %dma_wait3A_41 = arith.constant 0 : i32
    %dma_wait3A_42 = tpu.memref_slice %arg4[%dma_wait3A, %select_n3A, %dma_wait3A_40, %select_n3A_30, %dma_wait3A_41] : memref<26x4x128x8x128xf32, #tpu.memory_space<hbm>> -> memref<1x1x64x1x128xf32, #tpu.memory_space<hbm>>
    %dma_wait3A_43 = tpu.memref_squeeze %dma_wait3A_42 : memref<1x1x64x1x128xf32, #tpu.memory_space<hbm>> -> memref<64x128xf32, #tpu.memory_space<hbm>>
    tpu.wait_dma2 semaphore(%arg10 : memref<!tpu.dma_semaphore, #tpu.memory_space<semaphore_mem>>) src(%arg7 : memref<64x128xf32, #tpu.memory_space<vmem>>) dst(%dma_wait3A_43 : memref<64x128xf32, #tpu.memory_space<hbm>>)
    %dma_wait3A_44 = arith.constant 25 : i32
    %dma_wait3A_45 = arith.constant 64 : i32
    %dma_wait3A_46 = arith.constant 0 : i32
    %dma_wait3A_47 = tpu.memref_slice %arg4[%dma_wait3A_44, %select_n3A, %dma_wait3A_45, %select_n3A_30, %dma_wait3A_46] : memref<26x4x128x8x128xf32, #tpu.memory_space<hbm>> -> memref<1x1x64x1x128xf32, #tpu.memory_space<hbm>>
    %dma_wait3A_48 = tpu.memref_squeeze %dma_wait3A_47 : memref<1x1x64x1x128xf32, #tpu.memory_space<hbm>> -> memref<64x128xf32, #tpu.memory_space<hbm>>
    %dma_wait3A_49 = arith.constant 64 : i32
    %dma_wait3A_50 = arith.constant 0 : i32
    %dma_wait3A_51 = tpu.memref_slice %arg4[%dma_wait3A_44, %select_n3A, %dma_wait3A_49, %select_n3A_30, %dma_wait3A_50] : memref<26x4x128x8x128xf32, #tpu.memory_space<hbm>> -> memref<1x1x64x1x128xf32, #tpu.memory_space<hbm>>
    %dma_wait3A_52 = tpu.memref_squeeze %dma_wait3A_51 : memref<1x1x64x1x128xf32, #tpu.memory_space<hbm>> -> memref<64x128xf32, #tpu.memory_space<hbm>>
    tpu.wait_dma2 semaphore(%arg11 : memref<!tpu.dma_semaphore, #tpu.memory_space<semaphore_mem>>) src(%arg8 : memref<64x128xf32, #tpu.memory_space<vmem>>) dst(%dma_wait3A_52 : memref<64x128xf32, #tpu.memory_space<hbm>>)
    return
  }
}

</mosaic_0001>

<sc_bundles>
// kernel: kernel.3.cloned.1.call-start
scs
__scs_entry_jumppad:
0x0: {  	(pc) =	sbr.rel $0x88, $3  }
0x1: {  	(tag) =	ssettag $0x0;
	lr =	simm.s32 $0x1  }
0x2: {  	[smem:$0x3F9F] =	sst lr;
	_ =	strace $0xD0000000  }
0x3: {  	_ = 	snop  }
0x4: {  	_ = 	snop  }
0x5: {  	_ = 	snop  }
0x6: {  	_ = 	snop  }
0x7: {  	_ = 	snop  }
__scs_overlays_trampoline_lowered:
0x8: {  	[smem:$0x3FAE] =	sst s0  }
0x9: {  	[smem:$0x3FAF] =	sst s1  }
0xa: {  	[smem:$0x3FB0] =	sst s2  }
0xb: {  	[smem:$0x3FB1] =	sst s3  }
0xc: {  	[smem:$0x3FB2] =	sst s4  }
0xd: {  	[smem:$0x3FB3] =	sst s5  }
0xe: {  	[smem:$0x3FB4] =	sst s6  }
0xf: {  	[smem:$0x3FB5] =	sst s7  }
0x10: {  	[smem:$0x3FB6] =	sst s8  }
0x11: {  	[smem:$0x3FB7] =	sst s9;
	s0 =	simm.s32 @!p0 $0x0  }
0x12: {  	s1 =	sld [smem:$0x3F9D];
	s0 =	simm.s32 @p0 $0x1  }
0x13: {  	[smem:$0x3FB8] =	sst s0;
	s0 =	simm.s32 @!p1 $0x0  }
0x14: {  	s2 =	sld [smem:$0x3F9C];
	s0 =	simm.s32 @p1 $0x1  }
0x15: {  	[smem:$0x3FB9] =	sst s0;
	s0 =	simm.s32 @!p2 $0x0  }
0x16: {  	s3 =	sld [smem:$0x3FDB];
	s0 =	simm.s32 @p2 $0x1  }
0x17: {  	s4 =	simm.s32 $0x1BF5;
	[smem:$0x3FBB] =	sst s0  }
0x18: {  	s0 =	sld [smem:$0x3F9E];
	_ =	swait.ge [sflag:s4], $0x0  }
0x19: {  	s7 =	sld [smem:$0x3F9F]  }
0x1a: {  	s8 =	sadd.s32 $0xFFFFE003, lr  }
0x1b: {  	s9 =	sadd.s32 $0xFFFFFEF7, lr;
	s5 =	simm.s32 $0xFFFFFFFF;
	p2 =	slt.u32 s8, $0xFFFFF086  }
0x1c: {  	p1 =	slt.u32 s9, $0xF7A;
	s5 =	simm.s32 @!p2 $0x0  }
0x1d: {  	s5 =	simm.s32 @p1 $0x1;
	p0 =	seq.s32 s7, s2  }
0x1e: {  	s7 =	smul.u32 @!p0 $0xF7A, s2;
	p2 =	seq.s32 @!p0 s5, $0x0  }
0x1f: {  	s9 =	smul.u32 $0xF7A, s1;
	s8 =	simm.s32 @!p0 $0x1BF5;
	p2 =	por !p2, p0  }
0x20: {  	[sflag:s8] =	ssyncset.s32 @!p0 $0xFFFFF086;
	s6 =	sadd.s32 @!p0 s3, s7;
	s7 =	simm.s32 @!p0 $0x108  }
0x21: {  	s3 =	sadd.s32 s3, s9;
	s6 =	sadd.s32 @!p0 $0x88, s6;
	s7 =	simm.s32 @p2 $0x1082  }
0x22: {  	[simem:s7], [sflag:s8] =	dma.local @!p0 [hbm:s6], $0xF7A  }
0x23: {  	s9 =	sor.u32 $0xD0000000, s2;
	s6 =	simm.s32 $0x108;
	_ =	swait.ge @!p0 [sflag:s8], $0x0  }
0x24: {  	s3 =	sadd.s32 $0x88, s3;
	s6 =	simm.s32 @!p1 $0x1082;
	[sflag:s4] =	ssyncset.s32 $0xFFFFF086  }
0x25: {  	[simem:s6], [sflag:s4] =	dma.local [hbm:s3], $0xF7A  }
0x26: {  	[smem:$0x3F9F] =	sst s1;
	(tag) =	ssettag s2;
	_ =	strace s9  }
0x27: {  	s1 =	sld [smem:$0x3FAF]  }
0x28: {  	s2 =	sld [smem:$0x3FB0]  }
0x29: {  	s4 =	sld [smem:$0x3FB2]  }
0x2a: {  	p0 =	seq.s32 s5, $0x0;
	s5 =	sld [smem:$0x3FB3]  }
0x2b: {  	s6 =	sld [smem:$0x3FB4]  }
0x2c: {  	s7 =	sld [smem:$0x3FB5]  }
0x2d: {  	s3 =	simm.s32 $0x108;
	s8 =	sld [smem:$0x3FB6]  }
0x2e: {  	s3 =	simm.s32 @!p0 $0x1082;
	s9 =	sld [smem:$0x3FB7]  }
0x2f: {  	lr =	sadd.s32 s0, s3;
	s0 =	sld [smem:$0x3FAE]  }
0x30: {  	s3 =	sld [smem:$0x3FB1]  }
0x31: {  	[smem:$0x3FBA] =	sst s10  }
0x32: {  	s10 =	sld [smem:$0x3FB8];
	_ =	sdelay $0x3  }
0x33: {  	p0 =	seq.s32 s10, $0x1;
	s10 =	sld [smem:$0x3FBA];
	_ =	sdelay $0x3  }
0x34: {  	[smem:$0x3FBA] =	sst s10  }
0x35: {  	s10 =	sld [smem:$0x3FB9];
	_ =	sdelay $0x3  }
0x36: {  	p1 =	seq.s32 s10, $0x1;
	s10 =	sld [smem:$0x3FBA];
	_ =	sdelay $0x3  }
0x37: {  	[smem:$0x3FBA] =	sst s10  }
0x38: {  	s10 =	sld [smem:$0x3FBB]  }
0x39: {  	_ = 	snop;
	(pc) =	sbr.ind lr, $3  }
0x3a: {  	_ = 	snop  }
0x3b: {  	_ = 	snop  }
0x3c: {  	p2 =	seq.s32 s10, $0x1;
	s10 =	sld [smem:$0x3FBA]  }
0x3d: {  	_ =	shalt  }
0x3e: {  	_ =	shalt  }
0x3f: {  	_ =	shalt  }
0x40: {  	_ =	shalt  }
0x41: {  	_ =	shalt  }
0x42: {  	_ =	shalt  }
0x43: {  	_ =	shalt  }
0x44: {  	_ =	shalt  }
0x45: {  	_ =	shalt  }
0x46: {  	_ =	shalt  }
0x47: {  	_ =	shalt  }
0x48: {  	_ =	shalt  }
0x49: {  	_ =	shalt  }
0x4a: {  	_ =	shalt  }
0x4b: {  	_ =	shalt  }
0x4c: {  	_ =	shalt  }
0x4d: {  	_ =	shalt  }
0x4e: {  	_ =	shalt  }
0x4f: {  	_ =	shalt  }
0x50: {  	_ =	shalt  }
0x51: {  	_ =	shalt  }
0x52: {  	_ =	shalt  }
0x53: {  	_ =	shalt  }
0x54: {  	_ =	shalt  }
0x55: {  	_ =	shalt  }
0x56: {  	_ =	shalt  }
0x57: {  	_ =	shalt  }
0x58: {  	_ =	shalt  }
0x59: {  	_ =	shalt  }
0x5a: {  	_ =	shalt  }
0x5b: {  	_ =	shalt  }
0x5c: {  	_ =	shalt  }
0x5d: {  	_ =	shalt  }
0x5e: {  	_ =	shalt  }
0x5f: {  	_ =	shalt  }
0x60: {  	_ =	shalt  }
0x61: {  	_ =	shalt  }
0x62: {  	_ =	shalt  }
0x63: {  	_ =	shalt  }
0x64: {  	_ =	shalt  }
0x65: {  	_ =	shalt  }
0x66: {  	_ =	shalt  }
0x67: {  	_ =	shalt  }
0x68: {  	_ =	shalt  }
0x69: {  	_ =	shalt  }
0x6a: {  	_ =	shalt  }
0x6b: {  	_ =	shalt  }
0x6c: {  	_ =	shalt  }
0x6d: {  	_ =	shalt  }
0x6e: {  	_ =	shalt  }
0x6f: {  	_ =	shalt  }
0x70: {  	_ =	shalt  }
0x71: {  	_ =	shalt  }
0x72: {  	_ =	shalt  }
0x73: {  	_ =	shalt  }
0x74: {  	_ =	shalt  }
0x75: {  	_ =	shalt  }
0x76: {  	_ =	shalt  }
0x77: {  	_ =	shalt  }
0x78: {  	_ =	shalt  }
0x79: {  	_ =	shalt  }
0x7a: {  	_ =	shalt  }
0x7b: {  	_ =	shalt  }
0x7c: {  	_ =	shalt  }
0x7d: {  	_ =	shalt  }
0x7e: {  	_ =	shalt  }
0x7f: {  	_ =	shalt  }
0x80: {  	_ =	shalt  }
0x81: {  	_ =	shalt  }
0x82: {  	_ =	shalt  }
0x83: {  	_ =	shalt  }
0x84: {  	_ =	shalt  }
0x85: {  	_ =	shalt  }
0x86: {  	_ =	shalt  }
0x87: {  	_ =	shalt  }
.Lfunc_end0:
.L_simem_size_0:
called_computation_lowered:
.L_overlay_start_0:
0x88: {  	s2 =	sld [smem:$0x3FD9]  }
0x89: {  	s3 =	sld [smem:$0x3FFE];
	_ =	sdelay $0x1  }
0x8a: {  	s1 =	srdreg.scid  }
0x8b: {  	s0 =	sand.u32 $0x1, s1  }
0x8c: {  	s17 =	sshll.u32 s0, $0xA;
	s2 =	sadd.s32 s3, s2  }
0x8d: {  	s2 =	sadd.s32 s2, s17  }
0x8e: {  	[smem:$0x3FC6] =	sst s2  }
0x8f: {  	_ = 	snop  }
0x90: {  	s2 =	sld [smem:$0x3FC8]  }
0x91: {  	s18 =	sld [smem:$0x3FD0];
	(tm) =	ssettm $0x1  }
0x92: {  	s4 =	sld [smem:$0x3FFB];
	_ =	sdelay $0x3  }
0x93: {  	_ =	strace s4  }
0x94: {  	s4 =	sld [smem:$0x3FFC];
	_ =	sdelay $0x3  }
0x95: {  	_ =	strace s4  }
0x96: {  	s4 =	sld [smem:$0x3FFD];
	_ =	sdelay $0x3  }
0x97: {  	_ =	strace s4  }
0x98: {  	_ =	strace $0x8FFFFFFF  }
0x99: {  	s19 =	sld [smem:$0x3FDB];
	_ =	sdelay $0x1  }
0x9a: {  	s5 =	simm.s32 $_scs_section_size  }
0x9b: {  	s6 =	simm.s32 $_size__tile_overlayer_lowered;
	s7 =	simm.s32 $_tile_overlayer_lowered  }
0x9c: {  	s22 =	simm.s32 $0x1BFF;
	s21 =	sshll.u32 s7, $0x1;
	s4 =	sadd.s32 s5, s19  }
0x9d: {  	s8 =	simm.s32 $0x0;
	s20 =	sshll.u32 s6, $0x1;
	s6 =	sadd.s32 s21, s4  }
0x9e: {  	[timem:s8], [sflag:s22] =	dma.local [hbm:s6], s20  }
0x9f: {  	_ =	swait.ge [sflag:s22], s20  }
0xa0: {  	s5 =	ssub.s32 $0x0, s20;
	[sflag:s22] =	ssyncset.done $0x0  }
0xa1: {  	[sflag:s22] =	ssyncadd.s32 s5;
	_ =	sdelay $0x1  }
0xa2: {  	s23 =	simm.s32 $0x1B8B  }
0xa3: {  	_ =	swait.ge [sflag:s23], $0x1  }
0xa4: {  	[sflag:s23] =	ssyncset.done $0x0  }
0xa5: {  	s25 =	simm.s32 $0x1B8E;
	s24 =	sld [smem:$0x3FFE];
	[sflag:s23] =	ssyncadd.s32 $0xFFFFFFFF  }
0xa6: {  	s26 =	simm.s32 $execute0_lowered;
	[smem:$0x3FD2] =	sst s25  }
0xa7: {  	s6 =	sshll.u32 s26, $0x1;
	_ =	strace $0x80000046;
	[dreg:$0x1] =	wrdreg $0xFFFFFFFF  }
0xa8: {  	s28 =	simm.s32 $_size_execute0_lowered;
	s4 =	sadd.s32 s4, s6;
	[dreg:$0x0] =	wrdreg $0x0  }
0xa9: {  	s6 =	sshll.u32 s28, $0x1;
	[dreg:$0x2] =	wrdreg s4  }
0xaa: {  	[dreg:$0x3] =	wrdreg s6  }
0xab: {  	[dreg:$0x4] =	wrdreg $0xC0  }
0xac: {  	_ =	task [dreg:s8], $0x5FFFF  }
0xad: {  	[dreg:$0x1] =	wrdreg $0xFFFFFFFF  }
0xae: {  	[dreg:$0x0] =	wrdreg $0x60  }
0xaf: {  	[dreg:$0x2] =	wrdreg s24  }
0xb0: {  	[dreg:$0x3] =	wrdreg s2  }
0xb1: {  	[dreg:$0x4] =	wrdreg s18  }
0xb2: {  	[dreg:$0x5] =	wrdreg $0x9  }
0xb3: {  	_ =	task.clear_ibuf [dreg:s8], $0x6FFFF;
	_ =	strace $0x90000046  }
0xb4: {  	s29 =	simm.s32 $0x9;
	_ =	strace $0x80000048  }
0xb5: {  	_ =	swait.ge [sflag:s29], $0x1  }
0xb6: {  	[sflag:s29] =	ssyncadd.s32 $0xFFFFFFFF  }
0xb7: {  	_ =	strace $0x90000048  }
0xb8: {  	_ =	sfence  }
0xb9: {  	s30 =	sld [smem:$0x0];
	_ =	sdelay $0x2  }
0xba: {  	s31 =	sshll.u32 s1, $0xD;
	s1 =	sshrl.u32 s1, $0x2  }
0xbb: {  	s3 =	sand.u32 $0x4000, s31;
	s1 =	sadd.s32 s1, s30  }
0xbc: {  	s0 =	sor.u32 s3, s0;
	s1 =	sshll.u32 s1, $0x11  }
0xbd: {  	s0 =	sor.u32 s1, s0  }
0xbe: {  	s0 =	sadd.s32 $0x8F2B, s0  }
0xbf: {  	[sflag:s0] =	ssyncadd.remote.s32 $0x1  }
0xc0: {  	_ =	sfence.sel $0xFFFF  }
0xc1: {  	[dreg:$0x0] =	wrdreg $0xFFFFFFFF;
	(pc) =	sbr.abs _section_cstart, $3  }
0xc2: {  	[dreg:$0x1] =	wrdreg $0xFFFFFFFF  }
0xc3: {  	_ =	task.clear_ibuf [dreg:s8], $0x2FFFF;
	_ =	strace $0x9FFFFFFF  }
0xc4: {  	(tm) =	ssettm $0x7FFFFFFF  }
0xc5: {  	_ =	shalt  }
tec
execute0_lowered:
.L_overlay_start_1:
0x0: {  	(tag) =	ssettag $0x1  }
0x1: {  	s9 =	rddreg [dreg:$0x0]  }
0x2: {  	s1 =	rddreg [dreg:$0x1]  }
0x3: {  	s2 =	rddreg [dreg:$0x2]  }
0x4: {  	s0 =	rddreg [dreg:$0x3];
	s3 =	simm.s32 $0x0;
	s4 =	srdreg.scid  }
0x5: {  	s13 =	simm.s32 $0x400;
	s14 =	simm.s32 $0x18700;
	s15 =	simm.s32 $0x4  }
0x6: {  	s16 =	simm.s32 $0x1;
	s17 =	simm.s32 $0x1A700;
	s18 =	simm.s32 $0x1C700  }
0x7: {  	s19 =	simm.s32 $0x2;
	s20 =	simm.s32 $0x3;
	s21 =	simm.s32 $0x0  }
0x8: {  	[smem:$0x7FF] =	sst s3;
	s6 =	sand.u32 $0x1, s4;
	s5 =	sadd.s32 $0x400, s9  }
0x9: {  	s4 =	stileid.u32;
	s9 =	sadd.s32 $0x800, s9;
	_ =	strace $0x80000047  }
0xa: {  	s7 =	ssub.s32 $0x2, s6;
	s10 =	sshrl.u32 s4, $0x2;
	s11 =	sshll.u32 s4, $0x8  }
0xb: {  	s6 =	sshll.u32 s6, $0x7;
	s10 =	smul.u32 $0xC3800, s10;
	s11 =	sand.u32 $0x300, s11  }
0xc: {  	s31 =	sshll.u32 s4, $0xF;
	s8 =	sshrl.u32 s7, $0x1;
	s6 =	sor.u32 s6, s11  }
0xd: {  	s12 =	ssub.s32 s7, s8;
	s8 =	sand.u32 $0x60000, s31;
	s7 =	sor.u32 s6, s10  }
0xe: {  	s10 =	sadd.s32 $0x2000, s2;
	s11 =	smax.u32 s12, $0x1;
	s12 =	simm.s32 $0x80  }
.LBB2_1:
0xf: {  	s22 =	simm.s32 $0x0  }
.LBB2_2:
0x10: {  	s23 =	smul.u32 $0x30E000, s22;
	_ =	sdelay $0x1  }
0x11: {  	s23 =	sadd.s32 s7, s23  }
0x12: {  	s23 =	sshrl.u32 s23, $0x3  }
0x13: {  	s23 =	sadd.s32 s1, s23  }
0x14: {  	[tilespmem:s3], [sflag:$0x1] =	stream.strided.gather [hbm4b:s23+s12], $0x18700, s13, s12, $0x38;
	[tilespmem:$0x1E700] =	vst v63  }
0x15: {  	s23 =	sshll.u32 s22, $0xB  }
0x16: {  	s24 =	sadd.s32 s5, s23  }
0x17: {  	[tilespmem:s14], [sflag:$0x4] =	stream.linear.gather [hbm4b:s24+s3], $0x2000, $0x38;
	[tilespmem:$0x1E700] =	vst v63  }
0x18: {  	_ =	swait.ge [sflag:s15], $0x2000  }
0x19: {  	[sflag:s15] =	ssyncset.done $0x0  }
0x1a: {  	[sflag:s15] =	ssyncadd.s32 $0xFFFFE000  }
0x1b: {  	_ =	swait.ge [sflag:s16], $0x18700  }
0x1c: {  	p0 =	seq.s32 s22, $0x0;
	[sflag:s16] =	ssyncset.done $0x0  }
0x1d: {  	s24 =	simm.s32 @!p0 $0x2;
	[sflag:s16] =	ssyncadd.s32 $0xFFFE7900  }
0x1e: {  	_ =	swait.ge @!p0 [sflag:s24], $0x2000  }
0x1f: {  	[sflag:s24] =	ssyncset.done @!p0 $0x0  }
0x20: {  	s28 =	simm.s32 $0x18800;
	[sflag:s24] =	ssyncadd.s32 @!p0 $0xFFFFE000  }
0x21: {  	v0 =	vld [tilespmem:s28+$0x80]  }
0x22: {  	v1 =	vld [tilespmem:s28+$0xFFFFFF80]  }
0x23: {  	v2 =	vld [tilespmem:s28+$0x0];
	_ =	sdelay $0x2  }
0x24: {  	v3 =	vld [tilespmem:s28+$0xFFFFFF00];
	_ =	sdelay $0x2  }
0x25: {  	v0 =	vld.idx.msk [tilespmem:v0+s3+$0x0], $0xffff  }
0x26: {  	v1 =	vld.idx.msk [tilespmem:v1+s3+$0x0], $0xffff  }
0x27: {  	v2 =	vld.idx.msk [tilespmem:v2+s3+$0x0], $0xffff;
	_ =	sdelay $0x1  }
0x28: {  	s24 =	simm.s32 $0x1A800  }
0x29: {  	v3 =	vld.idx.msk [tilespmem:v3+s3+$0x0], $0xffff;
	[tilespmem:s24+$0x80] =	vst v0  }
0x2a: {  	[tilespmem:s24+$0xFFFFFF80] =	vst v1;
	v0 =	vld [tilespmem:s28+$0x90]  }
0x2b: {  	[tilespmem:s24+$0x0] =	vst v2;
	v1 =	vld [tilespmem:s28+$0xFFFFFF90]  }
0x2c: {  	v2 =	vld [tilespmem:s28+$0x10];
	_ =	sdelay $0x1  }
0x2d: {  	[tilespmem:s24+$0xFFFFFF00] =	vst v3  }
0x2e: {  	v3 =	vld [tilespmem:s28+$0xFFFFFF10];
	_ =	sdelay $0x2  }
0x2f: {  	v0 =	vld.idx.msk [tilespmem:v0+s3+$0x0], $0xffff  }
0x30: {  	v1 =	vld.idx.msk [tilespmem:v1+s3+$0x0], $0xffff  }
0x31: {  	v2 =	vld.idx.msk [tilespmem:v2+s3+$0x0], $0xffff;
	_ =	sdelay $0x2  }
0x32: {  	v3 =	vld.idx.msk [tilespmem:v3+s3+$0x0], $0xffff;
	[tilespmem:s24+$0x90] =	vst v0  }
0x33: {  	[tilespmem:s24+$0xFFFFFF90] =	vst v1;
	v0 =	vld [tilespmem:s28+$0xA0]  }
0x34: {  	[tilespmem:s24+$0x10] =	vst v2;
	v1 =	vld [tilespmem:s28+$0xFFFFFFA0]  }
0x35: {  	v2 =	vld [tilespmem:s28+$0x20];
	_ =	sdelay $0x1  }
0x36: {  	[tilespmem:s24+$0xFFFFFF10] =	vst v3  }
0x37: {  	v3 =	vld [tilespmem:s28+$0xFFFFFF20]  }
0x38: {  	s25 =	simm.s32 $0x18A00  }
0x39: {  	v4 =	vld [tilespmem:s25+$0x80]  }
0x3a: {  	v0 =	vld.idx.msk [tilespmem:v0+s3+$0x0], $0xffff  }
0x3b: {  	v1 =	vld.idx.msk [tilespmem:v1+s3+$0x0], $0xffff  }
0x3c: {  	v2 =	vld.idx.msk [tilespmem:v2+s3+$0x0], $0xffff;
	_ =	sdelay $0x1  }
0x3d: {  	v5 =	vld [tilespmem:s25+$0xFFFFFF80]  }
0x3e: {  	v3 =	vld.idx.msk [tilespmem:v3+s3+$0x0], $0xffff;
	[tilespmem:s24+$0xA0] =	vst v0  }
0x3f: {  	[tilespmem:s24+$0xFFFFFFA0] =	vst v1;
	v0 =	vld [tilespmem:s28+$0xB0]  }
0x40: {  	[tilespmem:s24+$0x20] =	vst v2;
	v1 =	vld [tilespmem:s28+$0xFFFFFFB0]  }
0x41: {  	v2 =	vld [tilespmem:s28+$0x30];
	_ =	sdelay $0x1  }
0x42: {  	v4 =	vld.idx.msk [tilespmem:v4+s3+$0x0], $0xffff;
	[tilespmem:s24+$0xFFFFFF20] =	vst v3  }
0x43: {  	v3 =	vld [tilespmem:s28+$0xFFFFFF30]  }
0x44: {  	v5 =	vld.idx.msk [tilespmem:v5+s3+$0x0], $0xffff  }
0x45: {  	v6 =	vld [tilespmem:s25+$0x0]  }
0x46: {  	v0 =	vld.idx.msk [tilespmem:v0+s3+$0x0], $0xffff  }
0x47: {  	s26 =	simm.s32 $0x1AA00;
	v1 =	vld.idx.msk [tilespmem:v1+s3+$0x0], $0xffff  }
0x48: {  	[tilespmem:s26+$0x80] =	vst v4;
	v2 =	vld.idx.msk [tilespmem:v2+s3+$0x0], $0xffff  }
0x49: {  	[tilespmem:s26+$0xFFFFFF80] =	vst v5;
	v4 =	vld [tilespmem:s25+$0x90]  }
0x4a: {  	v5 =	vld [tilespmem:s25+$0xFFFFFF90]  }
0x4b: {  	v3 =	vld.idx.msk [tilespmem:v3+s3+$0x0], $0xffff;
	[tilespmem:s24+$0xB0] =	vst v0  }
0x4c: {  	[tilespmem:s24+$0xFFFFFFB0] =	vst v1;
	v0 =	vld [tilespmem:s28+$0xC0]  }
0x4d: {  	[tilespmem:s24+$0x30] =	vst v2;
	v1 =	vld [tilespmem:s28+$0xFFFFFFC0]  }
0x4e: {  	v2 =	vld [tilespmem:s28+$0x40]  }
0x4f: {  	v7 =	vld [tilespmem:s25+$0xFFFFFF00]  }
0x50: {  	v6 =	vld.idx.msk [tilespmem:v6+s3+$0x0], $0xffff  }
0x51: {  	v4 =	vld.idx.msk [tilespmem:v4+s3+$0x0], $0xffff;
	[tilespmem:s24+$0xFFFFFF30] =	vst v3  }
0x52: {  	v3 =	vld [tilespmem:s28+$0xFFFFFF40]  }
0x53: {  	v5 =	vld.idx.msk [tilespmem:v5+s3+$0x0], $0xffff  }
0x54: {  	v0 =	vld.idx.msk [tilespmem:v0+s3+$0x0], $0xffff  }
0x55: {  	v1 =	vld.idx.msk [tilespmem:v1+s3+$0x0], $0xffff  }
0x56: {  	[tilespmem:s26+$0x0] =	vst v6;
	v2 =	vld.idx.msk [tilespmem:v2+s3+$0x0], $0xffff  }
0x57: {  	[tilespmem:s26+$0x90] =	vst v4  }
0x58: {  	v7 =	vld.idx.msk [tilespmem:v7+s3+$0x0], $0xffff;
	[tilespmem:s26+$0xFFFFFF90] =	vst v5  }
0x59: {  	v5 =	vld [tilespmem:s25+$0xA0];
	[tilespmem:s24+$0xC0] =	vst v0  }
0x5a: {  	[tilespmem:s24+$0xFFFFFFC0] =	vst v1;
	v1 =	vld.idx.msk [tilespmem:v3+s3+$0x0], $0xffff  }
0x5b: {  	[tilespmem:s24+$0x40] =	vst v2;
	v2 =	vld [tilespmem:s25+$0x10]  }
0x5c: {  	v0 =	vld [tilespmem:s28+$0xD0]  }
0x5d: {  	v3 =	vld [tilespmem:s28+$0xFFFFFFD0]  }
0x5e: {  	[tilespmem:s26+$0xFFFFFF00] =	vst v7;
	v6 =	vld [tilespmem:s28+$0x50]  }
0x5f: {  	[tilespmem:s24+$0xFFFFFF40] =	vst v1;
	v1 =	vld [tilespmem:s25+$0xFFFFFF10]  }
0x60: {  	v7 =	vld [tilespmem:s28+$0xFFFFFF50];
	_ =	sdelay $0x1  }
0x61: {  	v5 =	vld.idx.msk [tilespmem:v5+s3+$0x0], $0xffff  }
0x62: {  	v2 =	vld.idx.msk [tilespmem:v2+s3+$0x0], $0xffff  }
0x63: {  	v0 =	vld.idx.msk [tilespmem:v0+s3+$0x0], $0xffff  }
0x64: {  	v3 =	vld.idx.msk [tilespmem:v3+s3+$0x0], $0xffff  }
0x65: {  	v6 =	vld.idx.msk [tilespmem:v6+s3+$0x0], $0xffff  }
0x66: {  	v1 =	vld.idx.msk [tilespmem:v1+s3+$0x0], $0xffff  }
0x67: {  	v4 =	vld.idx.msk [tilespmem:v7+s3+$0x0], $0xffff  }
0x68: {  	[tilespmem:s26+$0x10] =	vst v2;
	v7 =	vld [tilespmem:s25+$0xFFFFFFA0]  }
0x69: {  	[tilespmem:s24+$0xD0] =	vst v0;
	v2 =	vld [tilespmem:s25+$0x20]  }
0x6a: {  	[tilespmem:s24+$0xFFFFFFD0] =	vst v3;
	v0 =	vld [tilespmem:s28+$0xE0]  }
0x6b: {  	v3 =	vld [tilespmem:s28+$0xFFFFFFE0];
	[tilespmem:s26+$0xFFFFFF10] =	vst v1  }
0x6c: {  	v1 =	vld [tilespmem:s25+$0xFFFFFF20];
	[tilespmem:s24+$0xFFFFFF50] =	vst v4  }
0x6d: {  	[tilespmem:s26+$0xA0] =	vst v5;
	v4 =	vld [tilespmem:s28+$0xFFFFFF60]  }
0x6e: {  	v5 =	vld [tilespmem:s25+$0xB0];
	[tilespmem:s24+$0x50] =	vst v6  }
0x6f: {  	v6 =	vld [tilespmem:s28+$0x60]  }
0x70: {  	v7 =	vld.idx.msk [tilespmem:v7+s3+$0x0], $0xffff  }
0x71: {  	v2 =	vld.idx.msk [tilespmem:v2+s3+$0x0], $0xffff  }
0x72: {  	v0 =	vld.idx.msk [tilespmem:v0+s3+$0x0], $0xffff  }
0x73: {  	v3 =	vld.idx.msk [tilespmem:v3+s3+$0x0], $0xffff  }
0x74: {  	v1 =	vld.idx.msk [tilespmem:v1+s3+$0x0], $0xffff  }
0x75: {  	[tilespmem:s26+$0xFFFFFFA0] =	vst v7;
	v4 =	vld.idx.msk [tilespmem:v4+s3+$0x0], $0xffff  }
0x76: {  	[tilespmem:s26+$0x20] =	vst v2;
	v7 =	vld [tilespmem:s25+$0xFFFFFFB0]  }
0x77: {  	[tilespmem:s24+$0xE0] =	vst v0;
	v2 =	vld [tilespmem:s25+$0x30]  }
0x78: {  	v0 =	vld [tilespmem:s28+$0xF0]  }
0x79: {  	v6 =	vld.idx.msk [tilespmem:v6+s3+$0x0], $0xffff;
	[tilespmem:s26+$0xFFFFFF20] =	vst v1  }
0x7a: {  	[tilespmem:s24+$0xFFFFFFE0] =	vst v3;
	v1 =	vld [tilespmem:s25+$0xFFFFFF30]  }
0x7b: {  	v3 =	vld.idx.msk [tilespmem:v5+s3+$0x0], $0xffff;
	[tilespmem:s24+$0xFFFFFF60] =	vst v4  }
0x7c: {  	v4 =	vld [tilespmem:s28+$0xFFFFFF70]  }
0x7d: {  	v9 =	vld [tilespmem:s28+$0xFFFFFFF0]  }
0x7e: {  	v5 =	vld.idx.msk [tilespmem:v7+s3+$0x0], $0xffff  }
0x7f: {  	v2 =	vld.idx.msk [tilespmem:v2+s3+$0x0], $0xffff  }
0x80: {  	[tilespmem:s24+$0x60] =	vst v6;
	v8 =	vld.idx.msk [tilespmem:v0+s3+$0x0], $0xffff  }
0x81: {  	v0 =	vld [tilespmem:s28+$0x70]  }
0x82: {  	[tilespmem:s26+$0xB0] =	vst v3;
	v6 =	vld.idx.msk [tilespmem:v1+s3+$0x0], $0xffff  }
0x83: {  	[tilespmem:s26+$0xFFFFFFB0] =	vst v5;
	v5 =	vld [tilespmem:s25+$0xC0]  }
0x84: {  	v1 =	vld.idx.msk [tilespmem:v4+s3+$0x0], $0xffff  }
0x85: {  	[tilespmem:s26+$0x30] =	vst v2;
	v2 =	vld.idx.msk [tilespmem:v9+s3+$0x0], $0xffff  }
0x86: {  	v3 =	vld [tilespmem:s25+$0xFFFFFFC0]  }
0x87: {  	s29 =	simm.s32 $0x4;
	s30 =	simm.s32 $0x18C00;
	s28 =	simm.s32 $0x1AA00;
	v4 =	vld [tilespmem:s25+$0x40];
	[tilespmem:s24+$0xF0] =	vst v8  }
.LBB2_3:
0x88: {  	v7 =	vld [tilespmem:s30+$0x80];
	s29 =	sadd.s32 $0x4, s29;
	[tilespmem:s26+$0xFFFFFF30] =	vst v6  }
0x89: {  	v6 =	vld [tilespmem:s30+$0xFFFFFF80];
	p1 =	slt.u32 s29, $0x3C;
	[tilespmem:s24+$0xFFFFFF70] =	vst v1  }
0x8a: {  	v1 =	vld [tilespmem:s30+$0x0]  }
0x8b: {  	v8 =	vld [tilespmem:s30+$0xFFFFFF00]  }
0x8c: {  	v5 =	vld.idx.msk [tilespmem:v5+s3+$0x0], $0xffff  }
0x8d: {  	v9 =	vld [tilespmem:s25+$0xFFFFFF40];
	[tilespmem:s24+$0xFFFFFFF0] =	vst v2  }
0x8e: {  	v2 =	vld.idx.msk [tilespmem:v3+s3+$0x0], $0xffff  }
0x8f: {  	v3 =	vld.idx.msk [tilespmem:v4+s3+$0x0], $0xffff  }
0x90: {  	v4 =	vld.idx.msk [tilespmem:v7+s3+$0x0], $0xffff  }
0x91: {  	v6 =	vld.idx.msk [tilespmem:v6+s3+$0x0], $0xffff  }
0x92: {  	v1 =	vld.idx.msk [tilespmem:v1+s3+$0x0], $0xffff;
	[tilespmem:s26+$0xC0] =	vst v5  }
0x93: {  	v5 =	vld [tilespmem:s25+$0xD0]  }
0x94: {  	v7 =	vld.idx.msk [tilespmem:v8+s3+$0x0], $0xffff;
	[tilespmem:s26+$0xFFFFFFC0] =	vst v2  }
0x95: {  	s26 =	sadd.s32 $0x200, s26;
	v2 =	vld.idx.msk [tilespmem:v9+s3+$0x0], $0xffff;
	[tilespmem:s28+$0x40] =	vst v3  }
0x96: {  	[tilespmem:s26+$0x80] =	vst v4;
	v3 =	vld [tilespmem:s25+$0xFFFFFFD0]  }
0x97: {  	[tilespmem:s26+$0xFFFFFF80] =	vst v6;
	v4 =	vld [tilespmem:s30+$0x90]  }
0x98: {  	v6 =	vld [tilespmem:s30+$0xFFFFFF90];
	[tilespmem:s26+$0x0] =	vst v1  }
0x99: {  	v1 =	vld [tilespmem:s30+$0x10]  }
0x9a: {  	[tilespmem:s26+$0xFFFFFF00] =	vst v7;
	v7 =	vld [tilespmem:s25+$0x50]  }
0x9b: {  	[tilespmem:s28+$0xFFFFFF40] =	vst v2;
	v2 =	vld.idx.msk [tilespmem:v5+s3+$0x0], $0xffff  }
0x9c: {  	v5 =	vld [tilespmem:s30+$0xFFFFFF10]  }
0x9d: {  	v8 =	vld [tilespmem:s25+$0xFFFFFF50]  }
0x9e: {  	v3 =	vld.idx.msk [tilespmem:v3+s3+$0x0], $0xffff  }
0x9f: {  	v4 =	vld.idx.msk [tilespmem:v4+s3+$0x0], $0xffff  }
0xa0: {  	v6 =	vld.idx.msk [tilespmem:v6+s3+$0x0], $0xffff  }
0xa1: {  	v1 =	vld.idx.msk [tilespmem:v1+s3+$0x0], $0xffff;
	[tilespmem:s28+$0xD0] =	vst v2  }
0xa2: {  	v2 =	vld [tilespmem:s25+$0xE0]  }
0xa3: {  	v7 =	vld.idx.msk [tilespmem:v7+s3+$0x0], $0xffff  }
0xa4: {  	v5 =	vld.idx.msk [tilespmem:v5+s3+$0x0], $0xffff;
	[tilespmem:s28+$0xFFFFFFD0] =	vst v3  }
0xa5: {  	[tilespmem:s26+$0x90] =	vst v4;
	v3 =	vld.idx.msk [tilespmem:v8+s3+$0x0], $0xffff  }
0xa6: {  	[tilespmem:s26+$0xFFFFFF90] =	vst v6;
	v4 =	vld [tilespmem:s30+$0xA0]  }
0xa7: {  	v6 =	vld [tilespmem:s30+$0xFFFFFFA0];
	[tilespmem:s26+$0x10] =	vst v1  }
0xa8: {  	v1 =	vld [tilespmem:s30+$0x20]  }
0xa9: {  	v8 =	vld [tilespmem:s25+$0xFFFFFFE0];
	[tilespmem:s28+$0x50] =	vst v7  }
0xaa: {  	[tilespmem:s26+$0xFFFFFF10] =	vst v5;
	v2 =	vld.idx.msk [tilespmem:v2+s3+$0x0], $0xffff  }
0xab: {  	v5 =	vld [tilespmem:s30+$0xFFFFFF20];
	[tilespmem:s28+$0xFFFFFF50] =	vst v3  }
0xac: {  	v3 =	vld [tilespmem:s25+$0xFFFFFF60]  }
0xad: {  	v7 =	vld [tilespmem:s25+$0x60]  }
0xae: {  	v4 =	vld.idx.msk [tilespmem:v4+s3+$0x0], $0xffff  }
0xaf: {  	v6 =	vld.idx.msk [tilespmem:v6+s3+$0x0], $0xffff  }
0xb0: {  	v1 =	vld.idx.msk [tilespmem:v1+s3+$0x0], $0xffff;
	[tilespmem:s28+$0xE0] =	vst v2  }
0xb1: {  	v2 =	vld [tilespmem:s25+$0xF0]  }
0xb2: {  	v8 =	vld.idx.msk [tilespmem:v8+s3+$0x0], $0xffff  }
0xb3: {  	v5 =	vld.idx.msk [tilespmem:v5+s3+$0x0], $0xffff  }
0xb4: {  	[tilespmem:s26+$0xA0] =	vst v4;
	v3 =	vld.idx.msk [tilespmem:v3+s3+$0x0], $0xffff  }
0xb5: {  	[tilespmem:s26+$0xFFFFFFA0] =	vst v6;
	v4 =	vld [tilespmem:s30+$0xB0]  }
0xb6: {  	v6 =	vld [tilespmem:s30+$0xFFFFFFB0];
	[tilespmem:s26+$0x20] =	vst v1  }
0xb7: {  	v1 =	vld [tilespmem:s30+$0x30]  }
0xb8: {  	[tilespmem:s28+$0xFFFFFFE0] =	vst v8;
	v7 =	vld.idx.msk [tilespmem:v7+s3+$0x0], $0xffff  }
0xb9: {  	[tilespmem:s26+$0xFFFFFF20] =	vst v5;
	v2 =	vld.idx.msk [tilespmem:v2+s3+$0x0], $0xffff  }
0xba: {  	v5 =	vld [tilespmem:s30+$0xFFFFFF30];
	[tilespmem:s28+$0xFFFFFF60] =	vst v3  }
0xbb: {  	v3 =	vld [tilespmem:s25+$0xFFFFFF70]  }
0xbc: {  	v8 =	vld [tilespmem:s25+$0xFFFFFFF0]  }
0xbd: {  	v4 =	vld.idx.msk [tilespmem:v4+s3+$0x0], $0xffff  }
0xbe: {  	v9 =	vld.idx.msk [tilespmem:v6+s3+$0x0], $0xffff;
	[tilespmem:s28+$0x60] =	vst v7  }
0xbf: {  	v7 =	vld.idx.msk [tilespmem:v1+s3+$0x0], $0xffff;
	[tilespmem:s28+$0xF0] =	vst v2  }
0xc0: {  	v2 =	vld [tilespmem:s25+$0x70];
	s25 =	smov.u32 s30  }
0xc1: {  	v10 =	vld.idx.msk [tilespmem:v0+s3+$0x0], $0xffff  }
0xc2: {  	v6 =	vld.idx.msk [tilespmem:v5+s3+$0x0], $0xffff  }
.Ltmp0:
0xc3: {  	[tilespmem:s26+$0xB0] =	vst v4;
	v1 =	vld.idx.msk [tilespmem:v3+s3+$0x0], $0xffff;
	(pc) =	sbr.rel @p1 .LBB2_3-.Ltmp0, $4  }
0xc4: {  	[tilespmem:s26+$0xFFFFFFB0] =	vst v9;
	v5 =	vld [tilespmem:s30+$0xC0]  }
0xc5: {  	v3 =	vld [tilespmem:s30+$0xFFFFFFC0];
	[tilespmem:s26+$0x30] =	vst v7;
	v0 =	vmov v2  }
0xc6: {  	v4 =	vld [tilespmem:s30+$0x40]  }
0xc7: {  	s30 =	sadd.s32 $0x200, s30;
	v2 =	vld.idx.msk [tilespmem:v8+s3+$0x0], $0xffff;
	[tilespmem:s24+$0x70] =	vst v10;
	s24 =	smov.u32 s28;
	s28 =	smov.u32 s26  }
0xc8: {  	[tilespmem:s26+$0xFFFFFF30] =	vst v6  }
0xc9: {  	v6 =	vld [tilespmem:s25+$0xFFFFFF40];
	_ =	sdelay $0x4  }
0xca: {  	v5 =	vld.idx.msk [tilespmem:v5+s3+$0x0], $0xffff  }
0xcb: {  	v3 =	vld.idx.msk [tilespmem:v3+s3+$0x0], $0xffff  }
0xcc: {  	v4 =	vld.idx.msk [tilespmem:v4+s3+$0x0], $0xffff  }
0xcd: {  	v6 =	vld.idx.msk [tilespmem:v6+s3+$0x0], $0xffff;
	_ =	sdelay $0x1  }
0xce: {  	[tilespmem:s26+$0xC0] =	vst v5  }
0xcf: {  	v5 =	vld [tilespmem:s25+$0xD0];
	[tilespmem:s26+$0xFFFFFFC0] =	vst v3  }
0xd0: {  	[tilespmem:s28+$0x40] =	vst v4;
	v4 =	vld [tilespmem:s25+$0xFFFFFFD0]  }
0xd1: {  	[tilespmem:s28+$0xFFFFFF40] =	vst v6;
	v6 =	vld [tilespmem:s25+$0x50]  }
0xd2: {  	v3 =	vld [tilespmem:s25+$0xFFFFFF50];
	_ =	sdelay $0x4  }
0xd3: {  	v5 =	vld.idx.msk [tilespmem:v5+s3+$0x0], $0xffff  }
0xd4: {  	v4 =	vld.idx.msk [tilespmem:v4+s3+$0x0], $0xffff  }
0xd5: {  	v6 =	vld.idx.msk [tilespmem:v6+s3+$0x0], $0xffff  }
0xd6: {  	v3 =	vld.idx.msk [tilespmem:v3+s3+$0x0], $0xffff;
	_ =	sdelay $0x1  }
0xd7: {  	[tilespmem:s28+$0xD0] =	vst v5  }
0xd8: {  	v5 =	vld [tilespmem:s25+$0xE0];
	[tilespmem:s28+$0xFFFFFFD0] =	vst v4  }
0xd9: {  	v4 =	vld [tilespmem:s25+$0xFFFFFFE0];
	[tilespmem:s28+$0x50] =	vst v6  }
0xda: {  	[tilespmem:s28+$0xFFFFFF50] =	vst v3;
	v6 =	vld [tilespmem:s25+$0x60]  }
0xdb: {  	v3 =	vld [tilespmem:s25+$0xFFFFFF60];
	_ =	sdelay $0x4  }
0xdc: {  	v5 =	vld.idx.msk [tilespmem:v5+s3+$0x0], $0xffff  }
0xdd: {  	v4 =	vld.idx.msk [tilespmem:v4+s3+$0x0], $0xffff  }
0xde: {  	v6 =	vld.idx.msk [tilespmem:v6+s3+$0x0], $0xffff  }
0xdf: {  	v3 =	vld.idx.msk [tilespmem:v3+s3+$0x0], $0xffff;
	_ =	sdelay $0x1  }
0xe0: {  	[tilespmem:s28+$0xE0] =	vst v5  }
0xe1: {  	v5 =	vld [tilespmem:s25+$0xF0];
	[tilespmem:s28+$0xFFFFFFE0] =	vst v4  }
0xe2: {  	v4 =	vld [tilespmem:s25+$0xFFFFFFF0];
	[tilespmem:s28+$0x60] =	vst v6  }
0xe3: {  	[tilespmem:s28+$0xFFFFFF60] =	vst v3;
	v6 =	vld [tilespmem:s25+$0x70]  }
0xe4: {  	v3 =	vld [tilespmem:s25+$0xFFFFFF70];
	_ =	sdelay $0x3  }
0xe5: {  	v0 =	vld.idx.msk [tilespmem:v0+s3+$0x0], $0xffff  }
0xe6: {  	v5 =	vld.idx.msk [tilespmem:v5+s3+$0x0], $0xffff  }
0xe7: {  	[tilespmem:s24+$0xFFFFFF70] =	vst v1;
	v1 =	vld.idx.msk [tilespmem:v4+s3+$0x0], $0xffff  }
0xe8: {  	[tilespmem:s24+$0xFFFFFFF0] =	vst v2;
	v2 =	vld.idx.msk [tilespmem:v6+s3+$0x0], $0xffff  }
0xe9: {  	v3 =	vld.idx.msk [tilespmem:v3+s3+$0x0], $0xffff  }
0xea: {  	s31 =	sshll.u32 s22, $0x13;
	[tilespmem:s24+$0x70] =	vst v0  }
0xeb: {  	s26 =	sor.u32 s31, s8;
	[tilespmem:s28+$0xF0] =	vst v5  }
0xec: {  	s24 =	sor.u32 s6, s26;
	[tilespmem:s28+$0xFFFFFFF0] =	vst v1  }
0xed: {  	s24 =	sshrl.u32 s24, $0x3;
	[tilespmem:s28+$0x70] =	vst v2  }
0xee: {  	s31 =	sadd.s32 s2, s24;
	[tilespmem:s28+$0xFFFFFF70] =	vst v3  }
0xef: {  	[hbm4b:s31+s12] =	stream.strided.scatter [tilespmem:s17], [sflag:$0x2], $0x2000, s13, s12, $0x38;
	[tilespmem:$0x1E700] =	vst v63  }
0xf0: {  	s23 =	sadd.s32 s23, s9  }
0xf1: {  	[tilespmem:s14], [sflag:$0x4] =	stream.linear.gather [hbm4b:s23+s3], $0x2000, $0x38;
	[tilespmem:$0x1E700] =	vst v63  }
0xf2: {  	_ =	swait.ge [sflag:s15], $0x2000  }
0xf3: {  	[sflag:s15] =	ssyncset.done $0x0  }
0xf4: {  	s23 =	simm.s32 @!p0 $0x3;
	[sflag:s15] =	ssyncadd.s32 $0xFFFFE000  }
0xf5: {  	_ =	swait.ge @!p0 [sflag:s23], $0x2000  }
0xf6: {  	[sflag:s23] =	ssyncset.done @!p0 $0x0  }
0xf7: {  	s28 =	simm.s32 $0x18800;
	[sflag:s23] =	ssyncadd.s32 @!p0 $0xFFFFE000  }
0xf8: {  	v0 =	vld [tilespmem:s28+$0x80]  }
0xf9: {  	v1 =	vld [tilespmem:s28+$0xFFFFFF80]  }
0xfa: {  	v2 =	vld [tilespmem:s28+$0x0];
	_ =	sdelay $0x2  }
0xfb: {  	v3 =	vld [tilespmem:s28+$0xFFFFFF00];
	_ =	sdelay $0x2  }
0xfc: {  	v0 =	vld.idx.msk [tilespmem:v0+s3+$0x0], $0xffff  }
0xfd: {  	v1 =	vld.idx.msk [tilespmem:v1+s3+$0x0], $0xffff  }
0xfe: {  	v2 =	vld.idx.msk [tilespmem:v2+s3+$0x0], $0xffff;
	_ =	sdelay $0x1  }
0xff: {  	s23 =	simm.s32 $0x1C800  }
0x100: {  	v3 =	vld.idx.msk [tilespmem:v3+s3+$0x0], $0xffff;
	[tilespmem:s23+$0x80] =	vst v0  }
0x101: {  	[tilespmem:s23+$0xFFFFFF80] =	vst v1;
	v0 =	vld [tilespmem:s28+$0x90]  }
0x102: {  	[tilespmem:s23+$0x0] =	vst v2;
	v1 =	vld [tilespmem:s28+$0xFFFFFF90]  }
0x103: {  	v2 =	vld [tilespmem:s28+$0x10];
	_ =	sdelay $0x1  }
0x104: {  	[tilespmem:s23+$0xFFFFFF00] =	vst v3  }
0x105: {  	v3 =	vld [tilespmem:s28+$0xFFFFFF10];
	_ =	sdelay $0x2  }
0x106: {  	v0 =	vld.idx.msk [tilespmem:v0+s3+$0x0], $0xffff  }
0x107: {  	v1 =	vld.idx.msk [tilespmem:v1+s3+$0x0], $0xffff  }
0x108: {  	v2 =	vld.idx.msk [tilespmem:v2+s3+$0x0], $0xffff;
	_ =	sdelay $0x2  }
0x109: {  	v3 =	vld.idx.msk [tilespmem:v3+s3+$0x0], $0xffff;
	[tilespmem:s23+$0x90] =	vst v0  }
0x10a: {  	[tilespmem:s23+$0xFFFFFF90] =	vst v1;
	v0 =	vld [tilespmem:s28+$0xA0]  }
0x10b: {  	[tilespmem:s23+$0x10] =	vst v2;
	v1 =	vld [tilespmem:s28+$0xFFFFFFA0]  }
0x10c: {  	v2 =	vld [tilespmem:s28+$0x20];
	_ =	sdelay $0x1  }
0x10d: {  	[tilespmem:s23+$0xFFFFFF10] =	vst v3  }
0x10e: {  	v3 =	vld [tilespmem:s28+$0xFFFFFF20]  }
0x10f: {  	s25 =	simm.s32 $0x18A00  }
0x110: {  	v4 =	vld [tilespmem:s25+$0x80]  }
0x111: {  	v0 =	vld.idx.msk [tilespmem:v0+s3+$0x0], $0xffff  }
0x112: {  	v1 =	vld.idx.msk [tilespmem:v1+s3+$0x0], $0xffff  }
0x113: {  	v2 =	vld.idx.msk [tilespmem:v2+s3+$0x0], $0xffff;
	_ =	sdelay $0x1  }
0x114: {  	v5 =	vld [tilespmem:s25+$0xFFFFFF80]  }
0x115: {  	v3 =	vld.idx.msk [tilespmem:v3+s3+$0x0], $0xffff;
	[tilespmem:s23+$0xA0] =	vst v0  }
0x116: {  	[tilespmem:s23+$0xFFFFFFA0] =	vst v1;
	v0 =	vld [tilespmem:s28+$0xB0]  }
0x117: {  	[tilespmem:s23+$0x20] =	vst v2;
	v1 =	vld [tilespmem:s28+$0xFFFFFFB0]  }
0x118: {  	v2 =	vld [tilespmem:s28+$0x30];
	_ =	sdelay $0x1  }
0x119: {  	v4 =	vld.idx.msk [tilespmem:v4+s3+$0x0], $0xffff;
	[tilespmem:s23+$0xFFFFFF20] =	vst v3  }
0x11a: {  	v3 =	vld [tilespmem:s28+$0xFFFFFF30]  }
0x11b: {  	v5 =	vld.idx.msk [tilespmem:v5+s3+$0x0], $0xffff  }
0x11c: {  	v6 =	vld [tilespmem:s25+$0x0]  }
0x11d: {  	v0 =	vld.idx.msk [tilespmem:v0+s3+$0x0], $0xffff  }
0x11e: {  	s26 =	simm.s32 $0x1CA00;
	v1 =	vld.idx.msk [tilespmem:v1+s3+$0x0], $0xffff  }
0x11f: {  	[tilespmem:s26+$0x80] =	vst v4;
	v2 =	vld.idx.msk [tilespmem:v2+s3+$0x0], $0xffff  }
0x120: {  	[tilespmem:s26+$0xFFFFFF80] =	vst v5;
	v4 =	vld [tilespmem:s25+$0x90]  }
0x121: {  	v5 =	vld [tilespmem:s25+$0xFFFFFF90]  }
0x122: {  	v3 =	vld.idx.msk [tilespmem:v3+s3+$0x0], $0xffff;
	[tilespmem:s23+$0xB0] =	vst v0  }
0x123: {  	[tilespmem:s23+$0xFFFFFFB0] =	vst v1;
	v0 =	vld [tilespmem:s28+$0xC0]  }
0x124: {  	[tilespmem:s23+$0x30] =	vst v2;
	v1 =	vld [tilespmem:s28+$0xFFFFFFC0]  }
0x125: {  	v2 =	vld [tilespmem:s28+$0x40]  }
0x126: {  	v7 =	vld [tilespmem:s25+$0xFFFFFF00]  }
0x127: {  	v6 =	vld.idx.msk [tilespmem:v6+s3+$0x0], $0xffff  }
0x128: {  	v4 =	vld.idx.msk [tilespmem:v4+s3+$0x0], $0xffff;
	[tilespmem:s23+$0xFFFFFF30] =	vst v3  }
0x129: {  	v3 =	vld [tilespmem:s28+$0xFFFFFF40]  }
0x12a: {  	v5 =	vld.idx.msk [tilespmem:v5+s3+$0x0], $0xffff  }
0x12b: {  	v0 =	vld.idx.msk [tilespmem:v0+s3+$0x0], $0xffff  }
0x12c: {  	v1 =	vld.idx.msk [tilespmem:v1+s3+$0x0], $0xffff  }
0x12d: {  	[tilespmem:s26+$0x0] =	vst v6;
	v2 =	vld.idx.msk [tilespmem:v2+s3+$0x0], $0xffff  }
0x12e: {  	[tilespmem:s26+$0x90] =	vst v4  }
0x12f: {  	v7 =	vld.idx.msk [tilespmem:v7+s3+$0x0], $0xffff;
	[tilespmem:s26+$0xFFFFFF90] =	vst v5  }
0x130: {  	v5 =	vld [tilespmem:s25+$0xA0];
	[tilespmem:s23+$0xC0] =	vst v0  }
0x131: {  	[tilespmem:s23+$0xFFFFFFC0] =	vst v1;
	v1 =	vld.idx.msk [tilespmem:v3+s3+$0x0], $0xffff  }
0x132: {  	[tilespmem:s23+$0x40] =	vst v2;
	v2 =	vld [tilespmem:s25+$0x10]  }
0x133: {  	v0 =	vld [tilespmem:s28+$0xD0]  }
0x134: {  	v3 =	vld [tilespmem:s28+$0xFFFFFFD0]  }
0x135: {  	[tilespmem:s26+$0xFFFFFF00] =	vst v7;
	v6 =	vld [tilespmem:s28+$0x50]  }
0x136: {  	[tilespmem:s23+$0xFFFFFF40] =	vst v1;
	v1 =	vld [tilespmem:s25+$0xFFFFFF10]  }
0x137: {  	v7 =	vld [tilespmem:s28+$0xFFFFFF50];
	_ =	sdelay $0x1  }
0x138: {  	v5 =	vld.idx.msk [tilespmem:v5+s3+$0x0], $0xffff  }
0x139: {  	v2 =	vld.idx.msk [tilespmem:v2+s3+$0x0], $0xffff  }
0x13a: {  	v0 =	vld.idx.msk [tilespmem:v0+s3+$0x0], $0xffff  }
0x13b: {  	v3 =	vld.idx.msk [tilespmem:v3+s3+$0x0], $0xffff  }
0x13c: {  	v6 =	vld.idx.msk [tilespmem:v6+s3+$0x0], $0xffff  }
0x13d: {  	v1 =	vld.idx.msk [tilespmem:v1+s3+$0x0], $0xffff  }
0x13e: {  	v4 =	vld.idx.msk [tilespmem:v7+s3+$0x0], $0xffff  }
0x13f: {  	[tilespmem:s26+$0x10] =	vst v2;
	v7 =	vld [tilespmem:s25+$0xFFFFFFA0]  }
0x140: {  	[tilespmem:s23+$0xD0] =	vst v0;
	v2 =	vld [tilespmem:s25+$0x20]  }
0x141: {  	[tilespmem:s23+$0xFFFFFFD0] =	vst v3;
	v0 =	vld [tilespmem:s28+$0xE0]  }
0x142: {  	v3 =	vld [tilespmem:s28+$0xFFFFFFE0];
	[tilespmem:s26+$0xFFFFFF10] =	vst v1  }
0x143: {  	v1 =	vld [tilespmem:s25+$0xFFFFFF20];
	[tilespmem:s23+$0xFFFFFF50] =	vst v4  }
0x144: {  	[tilespmem:s26+$0xA0] =	vst v5;
	v4 =	vld [tilespmem:s28+$0xFFFFFF60]  }
0x145: {  	v5 =	vld [tilespmem:s25+$0xB0];
	[tilespmem:s23+$0x50] =	vst v6  }
0x146: {  	v6 =	vld [tilespmem:s28+$0x60]  }
0x147: {  	v7 =	vld.idx.msk [tilespmem:v7+s3+$0x0], $0xffff  }
0x148: {  	v2 =	vld.idx.msk [tilespmem:v2+s3+$0x0], $0xffff  }
0x149: {  	v0 =	vld.idx.msk [tilespmem:v0+s3+$0x0], $0xffff  }
0x14a: {  	v3 =	vld.idx.msk [tilespmem:v3+s3+$0x0], $0xffff  }
0x14b: {  	v1 =	vld.idx.msk [tilespmem:v1+s3+$0x0], $0xffff  }
0x14c: {  	[tilespmem:s26+$0xFFFFFFA0] =	vst v7;
	v4 =	vld.idx.msk [tilespmem:v4+s3+$0x0], $0xffff  }
0x14d: {  	[tilespmem:s26+$0x20] =	vst v2;
	v7 =	vld [tilespmem:s25+$0xFFFFFFB0]  }
0x14e: {  	[tilespmem:s23+$0xE0] =	vst v0;
	v2 =	vld [tilespmem:s25+$0x30]  }
0x14f: {  	v0 =	vld [tilespmem:s28+$0xF0]  }
0x150: {  	v6 =	vld.idx.msk [tilespmem:v6+s3+$0x0], $0xffff;
	[tilespmem:s26+$0xFFFFFF20] =	vst v1  }
0x151: {  	[tilespmem:s23+$0xFFFFFFE0] =	vst v3;
	v1 =	vld [tilespmem:s25+$0xFFFFFF30]  }
0x152: {  	v3 =	vld.idx.msk [tilespmem:v5+s3+$0x0], $0xffff;
	[tilespmem:s23+$0xFFFFFF60] =	vst v4  }
0x153: {  	v4 =	vld [tilespmem:s28+$0xFFFFFF70]  }
0x154: {  	v9 =	vld [tilespmem:s28+$0xFFFFFFF0]  }
0x155: {  	v5 =	vld.idx.msk [tilespmem:v7+s3+$0x0], $0xffff  }
0x156: {  	v2 =	vld.idx.msk [tilespmem:v2+s3+$0x0], $0xffff  }
0x157: {  	[tilespmem:s23+$0x60] =	vst v6;
	v8 =	vld.idx.msk [tilespmem:v0+s3+$0x0], $0xffff  }
0x158: {  	v0 =	vld [tilespmem:s28+$0x70]  }
0x159: {  	[tilespmem:s26+$0xB0] =	vst v3;
	v6 =	vld.idx.msk [tilespmem:v1+s3+$0x0], $0xffff  }
0x15a: {  	[tilespmem:s26+$0xFFFFFFB0] =	vst v5;
	v5 =	vld [tilespmem:s25+$0xC0]  }
0x15b: {  	v1 =	vld.idx.msk [tilespmem:v4+s3+$0x0], $0xffff  }
0x15c: {  	[tilespmem:s26+$0x30] =	vst v2;
	v2 =	vld.idx.msk [tilespmem:v9+s3+$0x0], $0xffff  }
0x15d: {  	v3 =	vld [tilespmem:s25+$0xFFFFFFC0]  }
0x15e: {  	s29 =	simm.s32 $0x4;
	s30 =	simm.s32 $0x18C00;
	s28 =	simm.s32 $0x1CA00;
	v4 =	vld [tilespmem:s25+$0x40];
	[tilespmem:s23+$0xF0] =	vst v8  }
.LBB2_5:
0x15f: {  	v7 =	vld [tilespmem:s30+$0x80];
	s29 =	sadd.s32 $0x4, s29;
	[tilespmem:s26+$0xFFFFFF30] =	vst v6  }
0x160: {  	v6 =	vld [tilespmem:s30+$0xFFFFFF80];
	p0 =	slt.u32 s29, $0x3C;
	[tilespmem:s23+$0xFFFFFF70] =	vst v1  }
0x161: {  	v1 =	vld [tilespmem:s30+$0x0]  }
0x162: {  	v8 =	vld [tilespmem:s30+$0xFFFFFF00]  }
0x163: {  	v5 =	vld.idx.msk [tilespmem:v5+s3+$0x0], $0xffff  }
0x164: {  	v9 =	vld [tilespmem:s25+$0xFFFFFF40];
	[tilespmem:s23+$0xFFFFFFF0] =	vst v2  }
0x165: {  	v2 =	vld.idx.msk [tilespmem:v3+s3+$0x0], $0xffff  }
0x166: {  	v3 =	vld.idx.msk [tilespmem:v4+s3+$0x0], $0xffff  }
0x167: {  	v4 =	vld.idx.msk [tilespmem:v7+s3+$0x0], $0xffff  }
0x168: {  	v6 =	vld.idx.msk [tilespmem:v6+s3+$0x0], $0xffff  }
0x169: {  	v1 =	vld.idx.msk [tilespmem:v1+s3+$0x0], $0xffff;
	[tilespmem:s26+$0xC0] =	vst v5  }
0x16a: {  	v5 =	vld [tilespmem:s25+$0xD0]  }
0x16b: {  	v7 =	vld.idx.msk [tilespmem:v8+s3+$0x0], $0xffff;
	[tilespmem:s26+$0xFFFFFFC0] =	vst v2  }
0x16c: {  	s26 =	sadd.s32 $0x200, s26;
	v2 =	vld.idx.msk [tilespmem:v9+s3+$0x0], $0xffff;
	[tilespmem:s28+$0x40] =	vst v3  }
0x16d: {  	[tilespmem:s26+$0x80] =	vst v4;
	v3 =	vld [tilespmem:s25+$0xFFFFFFD0]  }
0x16e: {  	[tilespmem:s26+$0xFFFFFF80] =	vst v6;
	v4 =	vld [tilespmem:s30+$0x90]  }
0x16f: {  	v6 =	vld [tilespmem:s30+$0xFFFFFF90];
	[tilespmem:s26+$0x0] =	vst v1  }
0x170: {  	v1 =	vld [tilespmem:s30+$0x10]  }
0x171: {  	[tilespmem:s26+$0xFFFFFF00] =	vst v7;
	v7 =	vld [tilespmem:s25+$0x50]  }
0x172: {  	[tilespmem:s28+$0xFFFFFF40] =	vst v2;
	v2 =	vld.idx.msk [tilespmem:v5+s3+$0x0], $0xffff  }
0x173: {  	v5 =	vld [tilespmem:s30+$0xFFFFFF10]  }
0x174: {  	v8 =	vld [tilespmem:s25+$0xFFFFFF50]  }
0x175: {  	v3 =	vld.idx.msk [tilespmem:v3+s3+$0x0], $0xffff  }
0x176: {  	v4 =	vld.idx.msk [tilespmem:v4+s3+$0x0], $0xffff  }
0x177: {  	v6 =	vld.idx.msk [tilespmem:v6+s3+$0x0], $0xffff  }
0x178: {  	v1 =	vld.idx.msk [tilespmem:v1+s3+$0x0], $0xffff;
	[tilespmem:s28+$0xD0] =	vst v2  }
0x179: {  	v2 =	vld [tilespmem:s25+$0xE0]  }
0x17a: {  	v7 =	vld.idx.msk [tilespmem:v7+s3+$0x0], $0xffff  }
0x17b: {  	v5 =	vld.idx.msk [tilespmem:v5+s3+$0x0], $0xffff;
	[tilespmem:s28+$0xFFFFFFD0] =	vst v3  }
0x17c: {  	[tilespmem:s26+$0x90] =	vst v4;
	v3 =	vld.idx.msk [tilespmem:v8+s3+$0x0], $0xffff  }
0x17d: {  	[tilespmem:s26+$0xFFFFFF90] =	vst v6;
	v4 =	vld [tilespmem:s30+$0xA0]  }
0x17e: {  	v6 =	vld [tilespmem:s30+$0xFFFFFFA0];
	[tilespmem:s26+$0x10] =	vst v1  }
0x17f: {  	v1 =	vld [tilespmem:s30+$0x20]  }
0x180: {  	v8 =	vld [tilespmem:s25+$0xFFFFFFE0];
	[tilespmem:s28+$0x50] =	vst v7  }
0x181: {  	[tilespmem:s26+$0xFFFFFF10] =	vst v5;
	v2 =	vld.idx.msk [tilespmem:v2+s3+$0x0], $0xffff  }
0x182: {  	v5 =	vld [tilespmem:s30+$0xFFFFFF20];
	[tilespmem:s28+$0xFFFFFF50] =	vst v3  }
0x183: {  	v3 =	vld [tilespmem:s25+$0xFFFFFF60]  }
0x184: {  	v7 =	vld [tilespmem:s25+$0x60]  }
0x185: {  	v4 =	vld.idx.msk [tilespmem:v4+s3+$0x0], $0xffff  }
0x186: {  	v6 =	vld.idx.msk [tilespmem:v6+s3+$0x0], $0xffff  }
0x187: {  	v1 =	vld.idx.msk [tilespmem:v1+s3+$0x0], $0xffff;
	[tilespmem:s28+$0xE0] =	vst v2  }
0x188: {  	v2 =	vld [tilespmem:s25+$0xF0]  }
0x189: {  	v8 =	vld.idx.msk [tilespmem:v8+s3+$0x0], $0xffff  }
0x18a: {  	v5 =	vld.idx.msk [tilespmem:v5+s3+$0x0], $0xffff  }
0x18b: {  	[tilespmem:s26+$0xA0] =	vst v4;
	v3 =	vld.idx.msk [tilespmem:v3+s3+$0x0], $0xffff  }
0x18c: {  	[tilespmem:s26+$0xFFFFFFA0] =	vst v6;
	v4 =	vld [tilespmem:s30+$0xB0]  }
0x18d: {  	v6 =	vld [tilespmem:s30+$0xFFFFFFB0];
	[tilespmem:s26+$0x20] =	vst v1  }
0x18e: {  	v1 =	vld [tilespmem:s30+$0x30]  }
0x18f: {  	[tilespmem:s28+$0xFFFFFFE0] =	vst v8;
	v7 =	vld.idx.msk [tilespmem:v7+s3+$0x0], $0xffff  }
0x190: {  	[tilespmem:s26+$0xFFFFFF20] =	vst v5;
	v2 =	vld.idx.msk [tilespmem:v2+s3+$0x0], $0xffff  }
0x191: {  	v5 =	vld [tilespmem:s30+$0xFFFFFF30];
	[tilespmem:s28+$0xFFFFFF60] =	vst v3  }
0x192: {  	v3 =	vld [tilespmem:s25+$0xFFFFFF70]  }
0x193: {  	v8 =	vld [tilespmem:s25+$0xFFFFFFF0]  }
0x194: {  	v4 =	vld.idx.msk [tilespmem:v4+s3+$0x0], $0xffff  }
0x195: {  	v9 =	vld.idx.msk [tilespmem:v6+s3+$0x0], $0xffff;
	[tilespmem:s28+$0x60] =	vst v7  }
0x196: {  	v7 =	vld.idx.msk [tilespmem:v1+s3+$0x0], $0xffff;
	[tilespmem:s28+$0xF0] =	vst v2  }
0x197: {  	v2 =	vld [tilespmem:s25+$0x70];
	s25 =	smov.u32 s30  }
0x198: {  	v10 =	vld.idx.msk [tilespmem:v0+s3+$0x0], $0xffff  }
0x199: {  	v6 =	vld.idx.msk [tilespmem:v5+s3+$0x0], $0xffff  }
.Ltmp1:
0x19a: {  	[tilespmem:s26+$0xB0] =	vst v4;
	v1 =	vld.idx.msk [tilespmem:v3+s3+$0x0], $0xffff;
	(pc) =	sbr.rel @p0 .LBB2_5-.Ltmp1, $4  }
0x19b: {  	[tilespmem:s26+$0xFFFFFFB0] =	vst v9;
	v5 =	vld [tilespmem:s30+$0xC0]  }
0x19c: {  	v3 =	vld [tilespmem:s30+$0xFFFFFFC0];
	[tilespmem:s26+$0x30] =	vst v7;
	v0 =	vmov v2  }
0x19d: {  	v4 =	vld [tilespmem:s30+$0x40]  }
0x19e: {  	s30 =	sadd.s32 $0x200, s30;
	v2 =	vld.idx.msk [tilespmem:v8+s3+$0x0], $0xffff;
	[tilespmem:s23+$0x70] =	vst v10;
	s23 =	smov.u32 s28;
	s28 =	smov.u32 s26  }
0x19f: {  	[tilespmem:s26+$0xFFFFFF30] =	vst v6  }
0x1a0: {  	v6 =	vld [tilespmem:s25+$0xFFFFFF40];
	_ =	sdelay $0x4  }
0x1a1: {  	v5 =	vld.idx.msk [tilespmem:v5+s3+$0x0], $0xffff  }
0x1a2: {  	v3 =	vld.idx.msk [tilespmem:v3+s3+$0x0], $0xffff  }
0x1a3: {  	v4 =	vld.idx.msk [tilespmem:v4+s3+$0x0], $0xffff  }
0x1a4: {  	v6 =	vld.idx.msk [tilespmem:v6+s3+$0x0], $0xffff;
	_ =	sdelay $0x1  }
0x1a5: {  	[tilespmem:s26+$0xC0] =	vst v5  }
0x1a6: {  	v5 =	vld [tilespmem:s25+$0xD0];
	[tilespmem:s26+$0xFFFFFFC0] =	vst v3  }
0x1a7: {  	[tilespmem:s28+$0x40] =	vst v4;
	v60 =	vld [tilespmem:s25+$0xFFFFFFD0]  }
0x1a8: {  	v61 =	vld [tilespmem:s25+$0x50];
	[tilespmem:s28+$0xFFFFFF40] =	vst v6  }
0x1a9: {  	v59 =	vld [tilespmem:s25+$0xFFFFFF50];
	_ =	sdelay $0x4  }
0x1aa: {  	v5 =	vld.idx.msk [tilespmem:v5+s3+$0x0], $0xffff  }
0x1ab: {  	v4 =	vld.idx.msk [tilespmem:v60+s3+$0x0], $0xffff  }
0x1ac: {  	v6 =	vld.idx.msk [tilespmem:v61+s3+$0x0], $0xffff  }
0x1ad: {  	v3 =	vld.idx.msk [tilespmem:v59+s3+$0x0], $0xffff;
	_ =	sdelay $0x1  }
0x1ae: {  	[tilespmem:s28+$0xD0] =	vst v5  }
0x1af: {  	v5 =	vld [tilespmem:s25+$0xE0];
	[tilespmem:s28+$0xFFFFFFD0] =	vst v4  }
0x1b0: {  	v4 =	vld [tilespmem:s25+$0xFFFFFFE0];
	[tilespmem:s28+$0x50] =	vst v6  }
0x1b1: {  	v6 =	vld [tilespmem:s25+$0x60];
	[tilespmem:s28+$0xFFFFFF50] =	vst v3  }
0x1b2: {  	v3 =	vld [tilespmem:s25+$0xFFFFFF60];
	_ =	sdelay $0x4  }
0x1b3: {  	v5 =	vld.idx.msk [tilespmem:v5+s3+$0x0], $0xffff  }
0x1b4: {  	v4 =	vld.idx.msk [tilespmem:v4+s3+$0x0], $0xffff  }
0x1b5: {  	v6 =	vld.idx.msk [tilespmem:v6+s3+$0x0], $0xffff  }
0x1b6: {  	v3 =	vld.idx.msk [tilespmem:v3+s3+$0x0], $0xffff;
	_ =	sdelay $0x1  }
0x1b7: {  	[tilespmem:s28+$0xE0] =	vst v5  }
0x1b8: {  	v5 =	vld [tilespmem:s25+$0xF0];
	[tilespmem:s28+$0xFFFFFFE0] =	vst v4  }
0x1b9: {  	v4 =	vld [tilespmem:s25+$0xFFFFFFF0];
	[tilespmem:s28+$0x60] =	vst v6  }
0x1ba: {  	v6 =	vld [tilespmem:s25+$0x70];
	[tilespmem:s28+$0xFFFFFF60] =	vst v3  }
0x1bb: {  	v3 =	vld [tilespmem:s25+$0xFFFFFF70];
	_ =	sdelay $0x3  }
0x1bc: {  	v0 =	vld.idx.msk [tilespmem:v0+s3+$0x0], $0xffff  }
0x1bd: {  	v5 =	vld.idx.msk [tilespmem:v5+s3+$0x0], $0xffff  }
0x1be: {  	v62 =	vld.idx.msk [tilespmem:v4+s3+$0x0], $0xffff  }
0x1bf: {  	[tilespmem:s23+$0xFFFFFF70] =	vst v1;
	v63 =	vld.idx.msk [tilespmem:v6+s3+$0x0], $0xffff  }
0x1c0: {  	s22 =	sadd.s32 $0x1, s22;
	[tilespmem:s23+$0xFFFFFFF0] =	vst v2;
	v3 =	vld.idx.msk [tilespmem:v3+s3+$0x0], $0xffff  }
0x1c1: {  	p0 =	sne.s32 s22, $0x1A;
	[tilespmem:s23+$0x70] =	vst v0  }
.Ltmp2:
0x1c2: {  	[tilespmem:s28+$0xF0] =	vst v5;
	(pc) =	sbr.rel @p0 .LBB2_2-.Ltmp2, $4  }
0x1c3: {  	[tilespmem:s28+$0xFFFFFFF0] =	vst v62  }
0x1c4: {  	[tilespmem:s28+$0x70] =	vst v63  }
0x1c5: {  	s31 =	sadd.s32 s24, s10;
	[tilespmem:s28+$0xFFFFFF70] =	vst v3  }
0x1c6: {  	[hbm4b:s31+s12] =	stream.strided.scatter [tilespmem:s18], [sflag:$0x3], $0x2000, s13, s12, $0x38;
	[tilespmem:$0x1E700] =	vst v63  }
0x1c7: {  	s21 =	sadd.s32 $0x1, s21  }
0x1c8: {  	_ =	swait.ge [sflag:s19], $0x2000;
	p0 =	sne.s32 s21, s11  }
.Ltmp3:
0x1c9: {  	[sflag:s19] =	ssyncset.done $0x0;
	(pc) =	sbr.rel @p0 .LBB2_1-.Ltmp3, $4  }
0x1ca: {  	[sflag:s19] =	ssyncadd.s32 $0xFFFFE000  }
0x1cb: {  	_ =	swait.ge [sflag:s20], $0x2000  }
0x1cc: {  	[sflag:s20] =	ssyncset.done $0x0  }
0x1cd: {  	[sflag:s20] =	ssyncadd.s32 $0xFFFFE000  }
0x1ce: {  	_ =	sfence.sel $0x180000  }
0x1cf: {  	[bflag:$0x0] =	sbarrier.arrive $0xFFFF  }
0x1d0: {  	p0 =	sne.s32 s4, $0x0;
	_ =	strace $0x90000047  }
0x1d1: {  	s0 =	sadd.s32 @!p0 $0x100000, s0;
	[bflag:$0x2] =	sbarrier.arrive $0xFFFF  }
0x1d2: {  	[sflag:s0] =	ssyncadd.tile.s32 @!p0 $0x1;
	_ =	shalt  }
.Lfunc_end2:
_tile_overlayer_lowered:
.L_overlay_start_2:
0x1d3: {  	(tag) =	ssettag $0x2  }
0x1d4: {  	s0 =	rddreg [dreg:$0x0];
	s2 =	stileid.u32  }
0x1d5: {  	s1 =	rddreg [dreg:$0x1];
	p0 =	sne.s32 s2, $0x0  }
0x1d6: {  	s3 =	rddreg [dreg:$0x2];
	[bflag:$0x3] =	sbarrier.arrive $0xFFFF;
	s2 =	simm.s32 @!p0 $0x1C04  }
0x1d7: {  	[timem:s3], [sflag:s2] =	dma.local @!p0 [hbm:s0], s1  }
0x1d8: {  	s0 =	simm.s32 @!p0 $0x4  }
0x1d9: {  	_ =	swait.ge @!p0 [sflag:s0], s1  }
0x1da: {  	s1 =	ssub.s32 @!p0 $0x0, s1;
	[sflag:s0] =	ssyncset.done @!p0 $0x0  }
0x1db: {  	[sflag:s0] =	ssyncadd.s32 @!p0 s1  }
0x1dc: {  	[bflag:$0x3] =	sbarrier.arrive $0xFFFF  }
0x1dd: {  	_ =	shalt  }

</sc_bundles>
